<compile_context>
chip_gen: v7x
topology: tpu7x:2x2x1
jax: 0.10.2.dev20260603
libtpu: 0.0.44.dev20260713+nightly
codegen_flags: <defaults>
</compile_context>

<pallas_src>
import functools

import jax
import jax.numpy as jnp
from jax import lax
from jax.experimental import pallas as pl
from jax.experimental.pallas import tpu as pltpu
from jax.experimental.pallas import tpu_sc as plsc

N = 10000
E = 160000
F_IN = 37
H = 12
C = 37
ED = 20
HID = F_IN * H
FEATS = 1500
ODIM = 128
G = 512

NC = 2
NS = 16
NW = NC * NS
KD = 1024
E2 = E + N
E2P = 196608
JPT = E2P // (NW * KD)
NP = 10240
NPT = NP // NS

CP = 48
GC = 6
CW = 80


def _gat_msg_body(src2_ref, dst2_ref, xp_ref, exT_ref, denT_ref,
                  h1p_ref, alphaT_ref,
                  idx_s, idx_d, idxp, rows, exb, alb, den_vm, zbuf, accum, sem):
    c = lax.axis_index("c")
    s = lax.axis_index("s")
    wid = s * NC + c

    def zb(i, _):
        for w in range(CP // 16):
            zbuf[i, pl.ds(w * 16, 16)] = jnp.zeros((16,), jnp.float32)
        return _
    lax.fori_loop(0, NPT, zb, None)

    def head_pass(h, _):
        pltpu.sync_copy(zbuf, accum.at[pl.ds(pl.multiple_of(s * NPT, 128), NPT)])
        pltpu.sync_copy(denT_ref.at[pl.ds(pl.multiple_of(h * NP, 1024), NP)], den_vm)
        plsc.subcore_barrier()

        def chunk_loop(j, _):
            ebase = pl.multiple_of(wid * (JPT * KD) + j * KD, 1024)

            @pl.when(ebase < E2)
            def _chunk():
                _gat_chunk(ebase)
            return _

        def _gat_chunk(ebase):
            rbase = pl.multiple_of(ebase // 128, 8)
            pltpu.sync_copy(src2_ref.at[pl.ds(rbase, 8)], idx_s)
            pltpu.sync_copy(dst2_ref.at[pl.ds(rbase, 8)], idx_d)
            pltpu.sync_copy(exT_ref.at[pl.ds(pl.multiple_of(h * E2P + ebase, 1024), KD)], exb)

            hN = h * NP

            def vec_body(i, _):
                g = i // 8
                l = i % 8
                sl = pl.ds(l * 16, 16)
                se = pl.ds(i * 16, 16)
                idxp[g, sl] = idx_s[g, sl] + hN
                dv = plsc.load_gather(den_vm, [idx_d[g, sl]])
                alb[se] = exb[se] / (dv + 1e-16)
                return _
            lax.fori_loop(0, KD // 16, vec_body, None)

            pltpu.sync_copy(alb, alphaT_ref.at[pl.ds(pl.multiple_of(h * E2P + ebase, 1024), KD)])

            descs = [pltpu.async_copy(xp_ref.at[idxp.at[g]],
                                      rows.at[pl.ds(g * 128, 128)], sem)
                     for g in range(8)]
            for d in descs:
                d.wait()

            @plsc.parallel_loop(0, KD, unroll=8)
            def _mul(k):
                a = plsc.load_gather(alb, [jnp.full((16,), k, jnp.int32)])
                for w in range(CP // 16):
                    sl = pl.ds(w * 16, 16)
                    rows[k, sl] = rows[k, sl] * a

            for g in range(8):
                pltpu.sync_copy(rows.at[pl.ds(g * 128, 128)],
                                accum.at[idx_d.at[g]], add=True)
        lax.fori_loop(0, JPT, chunk_loop, None)

        plsc.subcore_barrier()
        obase = pl.multiple_of((c * H + h) * NP + s * NPT, 128)
        pltpu.sync_copy(accum.at[pl.ds(pl.multiple_of(s * NPT, 128), NPT)],
                        h1p_ref.at[pl.ds(obase, NPT)])
        return _
    lax.fori_loop(0, H, head_pass, None)


@jax.jit
def _gat_msg(src2g, dst2g, xp_flat, exT, denT):
    return pl.kernel(
        _gat_msg_body,
        out_type=(
            jax.ShapeDtypeStruct((NC * H * NP, CP), jnp.float32),
            jax.ShapeDtypeStruct((H * E2P,), jnp.float32),
        ),
        mesh=plsc.VectorSubcoreMesh(core_axis_name="c", subcore_axis_name="s"),
        compiler_params=pltpu.CompilerParams(
            needs_layout_passes=False, use_tc_tiling_on_sc=False),
        scratch_types=[
            pltpu.VMEM((8, 128), jnp.int32),
            pltpu.VMEM((8, 128), jnp.int32),
            pltpu.VMEM((8, 128), jnp.int32),
            pltpu.VMEM((KD, CP), jnp.float32),
            pltpu.VMEM((KD,), jnp.float32),
            pltpu.VMEM((KD,), jnp.float32),
            pltpu.VMEM((NP,), jnp.float32),
            pltpu.VMEM((NPT, CP), jnp.float32),
            pltpu.VMEM_SHARED((NP, CP), jnp.float32),
            pltpu.SemaphoreType.DMA,
        ],
    )(src2g, dst2g, xp_flat, exT, denT)


def _edge_soft_body(src2_ref, dst2_ref, asrc_ref, adst_ref, ae_ref, ew_ref,
                    exT_ref, sd_ref,
                    idx_s, idx_d, sbuf, dbuf, aeb, ewb, buf16, exT_buf,
                    accum, sem):
    c = lax.axis_index("c")
    s = lax.axis_index("s")
    wid = s * NC + c

    def zb(k, _):
        buf16[k, pl.ds(0, 16)] = jnp.zeros((16,), jnp.float32)
        return _
    lax.fori_loop(0, KD, zb, None)
    pltpu.sync_copy(buf16.at[pl.ds(0, NPT)],
                    accum.at[pl.ds(pl.multiple_of(s * NPT, 128), NPT)])
    plsc.subcore_barrier()

    io16 = lax.iota(jnp.int32, 16)

    def chunk_loop(j, _):
        ebase = pl.multiple_of(wid * (JPT * KD) + j * KD, 1024)

        @pl.when(ebase < E2)
        def _chunk():
            _soft_chunk(ebase)
        return _

    def _soft_chunk(ebase):
        rbase = pl.multiple_of(ebase // 128, 8)
        pltpu.sync_copy(src2_ref.at[pl.ds(rbase, 8)], idx_s)
        pltpu.sync_copy(dst2_ref.at[pl.ds(rbase, 8)], idx_d)
        pltpu.sync_copy(ae_ref.at[pl.ds(ebase, KD)], aeb)
        pltpu.sync_copy(ew_ref.at[pl.ds(ebase, KD)], ewb)
        descs = [pltpu.async_copy(asrc_ref.at[idx_s.at[g]],
                                  sbuf.at[pl.ds(g * 128, 128)], sem)
                 for g in range(8)]
        descs += [pltpu.async_copy(adst_ref.at[idx_d.at[g]],
                                   dbuf.at[pl.ds(g * 128, 128)], sem)
                  for g in range(8)]
        for d in descs:
            d.wait()

        @plsc.parallel_loop(0, KD, unroll=8)
        def _soft(k):
            sl = pl.ds(0, 16)
            zrow = sbuf[k, sl] + dbuf[k, sl] + aeb[k, sl]
            zrow = jnp.where(zrow >= 0.0, zrow, 0.2 * zrow)
            exr = jnp.exp(zrow)
            ewk = plsc.load_gather(ewb, [jnp.full((16,), k, jnp.int32)])
            row = jnp.where(io16 < 12, exr,
                            jnp.where(io16 == 12, ewk,
                                      jnp.zeros((16,), jnp.float32)))
            vmask = jnp.where(
                jnp.full((16,), ebase + k - E2, jnp.int32) < 0, 1.0, 0.0)
            buf16[k, sl] = row * vmask

        @plsc.parallel_loop(0, H * (KD // 16), unroll=8)
        def _tw(i):
            h = i // (KD // 16)
            kw = i % (KD // 16)
            v = plsc.load_gather(
                buf16, [io16 + kw * 16, jnp.full((16,), h, jnp.int32)])
            exT_buf[h, pl.ds(kw * 16, 16)] = v
        def hw_body(h, _):
            pltpu.sync_copy(
                exT_buf.at[h],
                exT_ref.at[pl.ds(pl.multiple_of(h * E2P + ebase, 1024), KD)])
            return _
        lax.fori_loop(0, H, hw_body, None)

        for g in range(8):
            pltpu.sync_copy(buf16.at[pl.ds(g * 128, 128)],
                            accum.at[idx_d.at[g]], add=True)
    lax.fori_loop(0, JPT, chunk_loop, None)

    plsc.subcore_barrier()
    obase = pl.multiple_of(c * NP + s * NPT, 128)
    pltpu.sync_copy(accum.at[pl.ds(pl.multiple_of(s * NPT, 128), NPT)],
                    sd_ref.at[pl.ds(obase, NPT)])


@jax.jit
def _edge_soft(src2g, dst2g, asrcp, adstp, aep, ewp):
    return pl.kernel(
        _edge_soft_body,
        out_type=(
            jax.ShapeDtypeStruct((H * E2P,), jnp.float32),
            jax.ShapeDtypeStruct((NC * NP, 16), jnp.float32),
        ),
        mesh=plsc.VectorSubcoreMesh(core_axis_name="c", subcore_axis_name="s"),
        compiler_params=pltpu.CompilerParams(
            needs_layout_passes=False, use_tc_tiling_on_sc=False),
        scratch_types=[
            pltpu.VMEM((8, 128), jnp.int32),
            pltpu.VMEM((8, 128), jnp.int32),
            pltpu.VMEM((KD, 16), jnp.float32),
            pltpu.VMEM((KD, 16), jnp.float32),
            pltpu.VMEM((KD, 16), jnp.float32),
            pltpu.VMEM((KD,), jnp.float32),
            pltpu.VMEM((KD, 16), jnp.float32),
            pltpu.VMEM((H, KD), jnp.float32),
            pltpu.VMEM_SHARED((NP, 16), jnp.float32),
            pltpu.SemaphoreType.DMA,
        ],
    )(src2g, dst2g, asrcp, adstp, aep, ewp)


def _gcn_msg_body(src2_ref, dst2_ref, xw_ref, ew_ref, dinv_ref,
                  h2p_ref,
                  idx_s, idx_d, rows, ewb, nrm, dinv_vm, accum, sem):
    c = lax.axis_index("c")
    s = lax.axis_index("s")
    wid = s * NC + c

    pltpu.sync_copy(dinv_ref, dinv_vm)

    def chunk_pass(jc, _):
        def zb(k, _):
            for w in range(CW // 16):
                rows[k, pl.ds(w * 16, 16)] = jnp.zeros((16,), jnp.float32)
            return _
        lax.fori_loop(0, KD // 2, zb, None)
        pltpu.sync_copy(rows, accum.at[pl.ds(pl.multiple_of(s * NPT, 128), KD // 2)])
        pltpu.sync_copy(rows.at[pl.ds(0, NPT - KD // 2)],
                        accum.at[pl.ds(pl.multiple_of(s * NPT + KD // 2, 128), NPT - KD // 2)])
        plsc.subcore_barrier()

        jN = jc * NP

        def chunk_loop(j, _):
            ebase = pl.multiple_of(wid * (JPT * KD) + j * KD, 1024)

            @pl.when(ebase < E2)
            def _chunk():
                _gcn_chunk(ebase)
            return _

        def _gcn_chunk(ebase):
            rbase = pl.multiple_of(ebase // 128, 8)
            pltpu.sync_copy(src2_ref.at[pl.ds(rbase, 8)], idx_s)
            pltpu.sync_copy(dst2_ref.at[pl.ds(rbase, 8)], idx_d)
            pltpu.sync_copy(ew_ref.at[pl.ds(ebase, KD)], ewb)

            def vec_body(i, _):
                g = i // 8
                l = i % 8
                sl = pl.ds(l * 16, 16)
                se = pl.ds(i * 16, 16)
                sv = idx_s[g, sl]
                ds_ = plsc.load_gather(dinv_vm, [sv])
                dd_ = plsc.load_gather(dinv_vm, [idx_d[g, sl]])
                nrm[se] = ds_ * ewb[se] * dd_
                idx_s[g, sl] = sv + jN
                return _
            lax.fori_loop(0, KD // 16, vec_body, None)

            for q in range(2):
                descs = [pltpu.async_copy(xw_ref.at[idx_s.at[q * 4 + g]],
                                          rows.at[pl.ds(g * 128, 128)], sem)
                         for g in range(4)]
                for d in descs:
                    d.wait()

                @plsc.parallel_loop(0, KD // 2, unroll=8)
                def _mul(k):
                    a = plsc.load_gather(
                        nrm, [jnp.full((16,), k + q * (KD // 2), jnp.int32)])
                    for w in range(CW // 16):
                        sl = pl.ds(w * 16, 16)
                        rows[k, sl] = rows[k, sl] * a

                for g in range(4):
                    pltpu.sync_copy(rows.at[pl.ds(g * 128, 128)],
                                    accum.at[idx_d.at[q * 4 + g]], add=True)
        lax.fori_loop(0, JPT, chunk_loop, None)

        plsc.subcore_barrier()
        obase = pl.multiple_of((c * GC + jc) * NP + s * NPT, 128)
        pltpu.sync_copy(accum.at[pl.ds(pl.multiple_of(s * NPT, 128), NPT)],
                        h2p_ref.at[pl.ds(obase, NPT)])
        plsc.subcore_barrier()
        return _
    lax.fori_loop(0, GC, chunk_pass, None)


@jax.jit
def _gcn_msg(src2g, dst2g, xw_flat, ewp, dinv):
    return pl.kernel(
        _gcn_msg_body,
        out_type=jax.ShapeDtypeStruct((NC * GC * NP, CW), jnp.float32),
        mesh=plsc.VectorSubcoreMesh(core_axis_name="c", subcore_axis_name="s"),
        compiler_params=pltpu.CompilerParams(
            needs_layout_passes=False, use_tc_tiling_on_sc=False),
        scratch_types=[
            pltpu.VMEM((8, 128), jnp.int32),
            pltpu.VMEM((8, 128), jnp.int32),
            pltpu.VMEM((KD // 2, CW), jnp.float32),
            pltpu.VMEM((KD,), jnp.float32),
            pltpu.VMEM((KD,), jnp.float32),
            pltpu.VMEM((NP,), jnp.float32),
            pltpu.VMEM_SHARED((NP, CW), jnp.float32),
            pltpu.SemaphoreType.DMA,
        ],
    )(src2g, dst2g, xw_flat, ewp, dinv)


def _mlp_head_kernel(h_ref, wg1_ref, bg1_ref, wg2_ref, bg2_ref,
                     wf1_ref, bf1_ref, wo_ref, bo_ref, out_ref):
    h = h_ref[...]
    t = jnp.maximum(h @ wg1_ref[...] + bg1_ref[...][None, :], 0.0)
    t = t @ wg2_ref[...] + bg2_ref[...][None, :]
    t = jnp.maximum(t @ wf1_ref[...] + bf1_ref[...][None, :], 0.0)
    o = t @ wo_ref[...] + bo_ref[...][None, :]
    out_ref[...] = jax.nn.sigmoid(o)


def _mlp_head(h, Wg1, bg1, Wg2, bg2, Wf1, bf1, Wo, bo):
    return pl.pallas_call(
        _mlp_head_kernel,
        out_shape=jax.ShapeDtypeStruct((G, 1), jnp.float32),
    )(h, Wg1, bg1, Wg2, bg2, Wf1, bf1, Wo, bo)


def kernel(x, edge_index, batch, edge_attr, edge_weight, W1, att_src, att_dst,
           We, att_edge, b1, W2, b2, Wg1, bg1, Wg2, bg2, Wf1, bf1, Wo, bo):
    src, dst = edge_index[0], edge_index[1]
    loop = jnp.arange(N, dtype=edge_index.dtype)
    src2 = jnp.concatenate([src, loop])
    dst2 = jnp.concatenate([dst, loop])
    src2g = jnp.pad(src2, (0, E2P - E2)).reshape(E2P // 128, 128)
    dst2g = jnp.pad(dst2, (0, E2P - E2)).reshape(E2P // 128, 128)

    cnt = jax.ops.segment_sum(jnp.ones((E,), jnp.float32), dst, num_segments=N)
    ea_mean = jax.ops.segment_sum(edge_attr, dst, num_segments=N) / jnp.maximum(cnt, 1.0)[:, None]

    Ms = (W1.reshape(F_IN, H, C) * att_src[0][None]).sum(-1)
    Md = (W1.reshape(F_IN, H, C) * att_dst[0][None]).sum(-1)
    Me = (We.reshape(ED, H, C) * att_edge[0][None]).sum(-1)
    xp = (x @ W1).reshape(N, H, C)
    a_src = x @ Ms
    a_dst = x @ Md
    a_edge = jnp.concatenate([edge_attr @ Me, ea_mean @ Me], axis=0)

    ew2 = jnp.concatenate([edge_weight, jnp.ones((N,), jnp.float32)])
    ewp = jnp.pad(ew2, (0, E2P - E2))
    asrcp = jnp.pad(a_src, ((0, NP - N), (0, 4)))
    adstp = jnp.pad(a_dst, ((0, NP - N), (0, 4)))
    aep = jnp.pad(a_edge, ((0, E2P - E2), (0, 4)))
    exT, sd_part = _edge_soft(src2g, dst2g, asrcp, adstp, aep, ewp)
    sd_tot = sd_part.reshape(NC, NP, 16).sum(0)
    denT = sd_tot[:, :12].T.reshape(H * NP)
    deg = sd_tot[:N, 12]

    xp_flat = jnp.pad(xp.transpose(1, 0, 2),
                      ((0, 0), (0, NP - N), (0, CP - C))).reshape(H * NP, CP)

    h1p, alphaT = _gat_msg(src2g, dst2g, xp_flat, exT, denT)
    alpha = alphaT.reshape(H, E2P)[:, :E2].T
    h1 = h1p.reshape(NC, H, NP, CP).sum(0)[:, :N, :C]
    h1 = h1.transpose(1, 0, 2).reshape(N, HID) + b1
    x1 = jnp.maximum(h1, 0.0)

    dinv = jnp.where(deg > 0, deg ** -0.5, 0.0)
    dinvp = jnp.pad(dinv, (0, NP - N))
    xw = x1 @ W2
    xw_flat = jnp.pad(xw.reshape(N, GC, HID // GC).transpose(1, 0, 2),
                      ((0, 0), (0, NP - N), (0, CW - HID // GC))).reshape(GC * NP, CW)
    h2p = _gcn_msg(src2g, dst2g, xw_flat, ewp, dinvp)
    h2 = h2p.reshape(NC, GC, NP, CW).sum(0)[:, :N, :HID // GC]
    h2 = h2.transpose(1, 0, 2).reshape(N, HID) + b2
    x2 = jnp.maximum(h2, 0.0)

    gmax = jax.ops.segment_max(x2, batch, num_segments=G)
    gmax = jnp.where(jnp.isfinite(gmax), gmax, 0.0)
    cg = jax.ops.segment_sum(jnp.ones((N,), jnp.float32), batch, num_segments=G)
    gmean = jax.ops.segment_sum(x2, batch, num_segments=G) / jnp.maximum(cg, 1.0)[:, None]
    h = jnp.concatenate([gmax, gmean], axis=1)

    out = _mlp_head(h, Wg1, bg1, Wg2, bg2, Wf1, bf1, Wo, bo)
    return out, alpha

# --- scband reference (transcript-rebuilt; emitter-appended) ---
"""Pipeline reference for scband-gat-gcn-46969762349480 (READ-ONLY COPY).

The authoritative reference and input builder live on the scoring server;
editing this copy changes nothing except your own understanding.
"""

import jax, jax.numpy as jnp
import numpy as np

N = 10000
E = 160000
F_IN = 37
H = 12
C = 37
ED = 20
HID = F_IN * H
FEATS = 1500
ODIM = 128
G = 512


def setup_inputs(seed: int = 0) -> dict:
    key = jax.random.key(seed)
    ks = jax.random.split(key, 24)
    inp = {}
    inp['x'] = jax.random.normal(ks[0], (N, F_IN), jnp.float32)
    inp['edge_index'] = jax.random.randint(ks[1], (2, E), 0, N, dtype=jnp.int32)
    inp['batch'] = jnp.sort(jax.random.randint(ks[2], (N,), 0, G, dtype=jnp.int32))
    inp['edge_attr'] = jax.random.normal(ks[3], (E, ED), jnp.float32)
    inp['edge_weight'] = jax.random.uniform(ks[4], (E,), jnp.float32)
    s = 0.1
    inp['W1'] = jax.random.normal(ks[5], (F_IN, H * C), jnp.float32) * s
    inp['att_src'] = jax.random.normal(ks[6], (1, H, C), jnp.float32) * s
    inp['att_dst'] = jax.random.normal(ks[7], (1, H, C), jnp.float32) * s
    inp['We'] = jax.random.normal(ks[8], (ED, H * C), jnp.float32) * s
    inp['att_edge'] = jax.random.normal(ks[9], (1, H, C), jnp.float32) * s
    inp['b1'] = jnp.zeros((H * C,), jnp.float32)
    inp['W2'] = jax.random.normal(ks[10], (HID, HID), jnp.float32) * 0.05
    inp['b2'] = jnp.zeros((HID,), jnp.float32)
    inp['Wg1'] = jax.random.normal(ks[11], (HID * 2, FEATS), jnp.float32) * 0.03
    inp['bg1'] = jnp.zeros((FEATS,), jnp.float32)
    inp['Wg2'] = jax.random.normal(ks[12], (FEATS, ODIM), jnp.float32) * 0.03
    inp['bg2'] = jnp.zeros((ODIM,), jnp.float32)
    inp['Wf1'] = jax.random.normal(ks[13], (ODIM, FEATS // 2), jnp.float32) * 0.05
    inp['bf1'] = jnp.zeros((FEATS // 2,), jnp.float32)
    inp['Wo'] = jax.random.normal(ks[14], (FEATS // 2, 1), jnp.float32) * 0.05
    inp['bo'] = jnp.zeros((1,), jnp.float32)
    return inp


def _segment_softmax(alpha, seg, num_segments):
    amax = jax.ops.segment_max(alpha, seg, num_segments=num_segments)
    amax = jnp.where(jnp.isfinite(amax), amax, 0.0)
    ex = jnp.exp(alpha - amax[seg])
    denom = jax.ops.segment_sum(ex, seg, num_segments=num_segments)
    return ex / (denom[seg] + 1e-16)


def _forward(x, edge_attr, edge_weight, W1, att_src, att_dst, We, att_edge, b1, W2, b2, Wg1, bg1, Wg2, bg2, Wf1, bf1, Wo, bo, edge_index, batch):
    src, dst = edge_index[0], edge_index[1]
    loop = jnp.arange(N, dtype=edge_index.dtype)
    # --- GATConv (edge_dim=20, heads=12, concat=True, add_self_loops fill_value='mean') ---
    cnt = jax.ops.segment_sum(jnp.ones((E,), jnp.float32), dst, num_segments=N)
    ea_mean = jax.ops.segment_sum(edge_attr, dst, num_segments=N) / jnp.maximum(cnt, 1.0)[:, None]
    src2 = jnp.concatenate([src, loop])
    dst2 = jnp.concatenate([dst, loop])
    ea2 = jnp.concatenate([edge_attr, ea_mean], axis=0)
    xp = (x @ W1).reshape(N, H, C)
    a_src = (xp * att_src).sum(-1)
    a_dst = (xp * att_dst).sum(-1)
    ep = (ea2 @ We).reshape(-1, H, C)
    a_edge = (ep * att_edge).sum(-1)
    alpha = a_src[src2] + a_dst[dst2] + a_edge
    alpha = jax.nn.leaky_relu(alpha, 0.2)
    alpha = _segment_softmax(alpha, dst2, N)
    msg = xp[src2] * alpha[:, :, None]
    h1 = jax.ops.segment_sum(msg, dst2, num_segments=N).reshape(N, H * C) + b1
    x1 = jax.nn.relu(h1)
    # --- GCNConv with edge_weight (self-loops weight 1, sym normalization) ---
    ew2 = jnp.concatenate([edge_weight, jnp.ones((N,), jnp.float32)])
    deg = jax.ops.segment_sum(ew2, dst2, num_segments=N)
    dinv = jnp.where(deg > 0, deg ** -0.5, 0.0)
    norm = dinv[src2] * ew2 * dinv[dst2]
    xw = x1 @ W2
    h2 = jax.ops.segment_sum(xw[src2] * norm[:, None], dst2, num_segments=N) + b2
    x2 = jax.nn.relu(h2)
    # --- global max pool + global mean pool over batch ---
    gmax = jax.ops.segment_max(x2, batch, num_segments=G)
    gmax = jnp.where(jnp.isfinite(gmax), gmax, 0.0)
    cg = jax.ops.segment_sum(jnp.ones((N,), jnp.float32), batch, num_segments=G)
    gmean = jax.ops.segment_sum(x2, batch, num_segments=G) / jnp.maximum(cg, 1.0)[:, None]
    h = jnp.concatenate([gmax, gmean], axis=1)
    # --- MLP head (dropout is identity in eval mode) ---
    h = jax.nn.relu(h @ Wg1 + bg1)
    h = h @ Wg2 + bg2
    h = jax.nn.relu(h @ Wf1 + bf1)
    out = jax.nn.sigmoid(h @ Wo + bo)
    return out, alpha


def reference(x, edge_index, batch, edge_attr, edge_weight, W1, att_src, att_dst, We, att_edge, b1, W2, b2, Wg1, bg1, Wg2, bg2, Wf1, bf1, Wo, bo):
    return _forward(x, edge_attr, edge_weight, W1, att_src, att_dst, We, att_edge, b1, W2, b2, Wg1, bg1, Wg2, bg2, Wf1, bf1, Wo, bo, edge_index, batch)

if __name__ == "__main__":
    import jax
    _d = setup_inputs()
    print(jax.jit(kernel)(*tuple(_d.values())))

</pallas_src>

<mosaic_0001>
#map = affine_map<(d0, d1) -> (0, 0)>
#map1 = affine_map<(d0, d1) -> (0)>
module attributes {stable_mosaic.version = 14 : i64} {
  func.func @_edge_soft_body(%arg0: i32, %arg1: i32, %arg2: memref<1536x128xi32, #tpu.memory_space<hbm>>, %arg3: memref<1536x128xi32, #tpu.memory_space<hbm>>, %arg4: memref<10240x16xf32, #tpu.memory_space<hbm>>, %arg5: memref<10240x16xf32, #tpu.memory_space<hbm>>, %arg6: memref<196608x16xf32, #tpu.memory_space<hbm>>, %arg7: memref<196608xf32, #tpu.memory_space<hbm>>, %arg8: memref<2359296xf32, #tpu.memory_space<hbm>>, %arg9: memref<20480x16xf32, #tpu.memory_space<hbm>>, %arg10: memref<8x128xi32, #tpu.memory_space<vmem>>, %arg11: memref<8x128xi32, #tpu.memory_space<vmem>>, %arg12: memref<1024x16xf32, #tpu.memory_space<vmem>>, %arg13: memref<1024x16xf32, #tpu.memory_space<vmem>>, %arg14: memref<1024x16xf32, #tpu.memory_space<vmem>>, %arg15: memref<1024xf32, #tpu.memory_space<vmem>>, %arg16: memref<1024x16xf32, #tpu.memory_space<vmem>>, %arg17: memref<12x1024xf32, #tpu.memory_space<vmem>>, %arg18: memref<10240x16xf32, #tpu.memory_space<vmem_shared>>, %arg19: memref<!tpu.dma_semaphore, #tpu.memory_space<semaphore_mem>>) attributes {dimension_semantics = [#tpu.dimension_semantics<core_parallel>, #tpu.dimension_semantics<subcore_parallel>], iteration_bounds = array<i64: 2, 16>, scalar_prefetch = 0 : i64, scratch_operands = 10 : i64, tpu.core_type = #tpu.core_type<sc_vector_subcore>, window_params = [{transform_indices = #map}, {transform_indices = #map}, {transform_indices = #map}, {transform_indices = #map}, {transform_indices = #map}, {transform_indices = #map1}, {transform_indices = #map1}, {transform_indices = #map}]} {
    %mul3A = arith.constant 2 : i32
    %mul3A_0 = arith.muli %arg1, %mul3A : i32
    %add3A = arith.addi %mul3A_0, %arg0 : i32
    %scan3A = arith.constant 0 : i32
    %scan3A_1 = arith.constant 1024 : i32
    %scan3A_2 = arith.addi %scan3A, %scan3A_1 : i32
    %scan3A_3 = arith.constant 1 : i32
    scf.for %scan3A_22 = %scan3A to %scan3A_2 step %scan3A_3  : i32 {
      %broadcast_in_dim3A = arith.constant 0.000000e+00 : f32
      %broadcast_in_dim3A_23 = vector.broadcast %broadcast_in_dim3A : f32 to vector<16xf32>
      %swap3A = arith.index_cast %scan3A_22 : i32 to index
      %swap3A_24 = arith.constant 0 : index
      %swap3A_25 = tpu.vector_load %arg16[%swap3A, %swap3A_24] {strides = array<i32>} : memref<1024x16xf32, #tpu.memory_space<vmem>>, vector<16xf32>,
      tpu.vector_store %arg16[%swap3A, %swap3A_24], %broadcast_in_dim3A_23 {strides = array<i32>} : memref<1024x16xf32, #tpu.memory_space<vmem>>, vector<16xf32>,
    }
    %scan3A_4 = arith.constant 1024 : i32
    %mul3A_5 = arith.constant 640 : i32
    %mul3A_6 = arith.muli %arg1, %mul3A_5 : i32
    %multiple_of3A = tpu.assume_multiple %mul3A_6, 128 : i32
    "tpu.region"() ({
      %run_scoped3A = tpu.sem_alloc : memref<!tpu.dma_semaphore, #tpu.memory_space<semaphore_mem>>
      %dma_start3A = arith.constant 0 : i32
      %dma_start3A_22 = arith.constant 0 : i32
      %dma_start3A_23 = tpu.memref_slice %arg16[%dma_start3A, %dma_start3A_22] : memref<1024x16xf32, #tpu.memory_space<vmem>> -> memref<640x16xf32, #tpu.memory_space<vmem>>
      %dma_start3A_24 = arith.constant 0 : i32
      %dma_start3A_25 = tpu.memref_slice %arg18[%multiple_of3A, %dma_start3A_24] : memref<10240x16xf32, #tpu.memory_space<vmem_shared>> -> memref<640x16xf32, #tpu.memory_space<vmem_shared>>
      %dma_start3A_26 = arith.constant 0 : i32
      %dma_start3A_27 = tpu.memref_slice %arg18[%multiple_of3A, %dma_start3A_26] : memref<10240x16xf32, #tpu.memory_space<vmem_shared>> -> memref<640x16xf32, #tpu.memory_space<vmem_shared>>
      %dma_start3A_28 = arith.constant 0 : i32
      %dma_start3A_29 = arith.constant 0 : i32
      %dma_start3A_30 = tpu.memref_slice %arg16[%dma_start3A_28, %dma_start3A_29] : memref<1024x16xf32, #tpu.memory_space<vmem>> -> memref<640x16xf32, #tpu.memory_space<vmem>>
      tpu.enqueue_dma source(%dma_start3A_30 : memref<640x16xf32, #tpu.memory_space<vmem>>) target(%dma_start3A_27 : memref<640x16xf32, #tpu.memory_space<vmem_shared>>) target_semaphore(%run_scoped3A : memref<!tpu.dma_semaphore, #tpu.memory_space<semaphore_mem>>)
      %dma_wait3A = arith.constant 0 : i32
      %dma_wait3A_31 = arith.constant 0 : i32
      %dma_wait3A_32 = tpu.memref_slice %arg16[%dma_wait3A, %dma_wait3A_31] : memref<1024x16xf32, #tpu.memory_space<vmem>> -> memref<640x16xf32, #tpu.memory_space<vmem>>
      %dma_wait3A_33 = arith.constant 0 : i32
      %dma_wait3A_34 = tpu.memref_slice %arg18[%multiple_of3A, %dma_wait3A_33] : memref<10240x16xf32, #tpu.memory_space<vmem_shared>> -> memref<640x16xf32, #tpu.memory_space<vmem_shared>>
      %dma_wait3A_35 = arith.constant 0 : i32
      %dma_wait3A_36 = tpu.memref_slice %arg18[%multiple_of3A, %dma_wait3A_35] : memref<10240x16xf32, #tpu.memory_space<vmem_shared>> -> memref<640x16xf32, #tpu.memory_space<vmem_shared>>
      %dma_wait3A_37 = arith.constant 0 : i32
      %dma_wait3A_38 = arith.constant 0 : i32
      %dma_wait3A_39 = tpu.memref_slice %arg16[%dma_wait3A_37, %dma_wait3A_38] : memref<1024x16xf32, #tpu.memory_space<vmem>> -> memref<640x16xf32, #tpu.memory_space<vmem>>
      tpu.wait_dma2 semaphore(%run_scoped3A : memref<!tpu.dma_semaphore, #tpu.memory_space<semaphore_mem>>) src(%dma_wait3A_39 : memref<640x16xf32, #tpu.memory_space<vmem>>) dst(%dma_wait3A_36 : memref<640x16xf32, #tpu.memory_space<vmem_shared>>)
      tpu.yield
    }) : () -> ()
    %barrier3A = arith.constant 0 : index
    tpu.barrier barrier_id(%barrier3A)
    %iota3A = tpu.iota {dimensions = array<i32: 0>} : vector<16xi32>
    %scan3A_7 = arith.constant 0 : i32
    %scan3A_8 = arith.constant 6 : i32
    %scan3A_9 = arith.addi %scan3A_7, %scan3A_8 : i32
    %scan3A_10 = arith.constant 1 : i32
    scf.for %scan3A_22 = %scan3A_7 to %scan3A_9 step %scan3A_10  : i32 {
      %mul3A_23 = arith.constant 6144 : i32
      %mul3A_24 = arith.muli %add3A, %mul3A_23 : i32
      %mul3A_25 = arith.constant 1024 : i32
      %mul3A_26 = arith.muli %scan3A_22, %mul3A_25 : i32
      %add3A_27 = arith.addi %mul3A_24, %mul3A_26 : i32
      %multiple_of3A_28 = tpu.assume_multiple %add3A_27, 1024 : i32
      %lt3A = arith.constant 170000 : i32
      %lt3A_29 = arith.cmpi slt, %multiple_of3A_28, %lt3A : i32
      %convert_element_type3A = arith.extui %lt3A_29 : i1 to i32
      %cond3A = arith.constant 0 : i32
      %cond3A_30 = arith.cmpi ne, %convert_element_type3A, %cond3A : i32
      scf.if %cond3A_30 {
        %jit3A = arith.constant 128 : i32
        %div3A = arith.divsi %multiple_of3A_28, %jit3A : i32
        %sign3A = arith.constant 0 : i32
        %sign3A_31 = arith.cmpi sgt, %multiple_of3A_28, %sign3A : i32
        %sign3A_32 = arith.extui %sign3A_31 : i1 to i32
        %sign3A_33 = arith.constant 0 : i32
        %sign3A_34 = arith.cmpi slt, %multiple_of3A_28, %sign3A_33 : i32
        %sign3A_35 = arith.extui %sign3A_34 : i1 to i32
        %sign3A_36 = arith.subi %sign3A_32, %sign3A_35 : i32
        %sign3A_37 = arith.constant 0 : i32
        %sign3A_38 = arith.cmpi sgt, %jit3A, %sign3A_37 : i32
        %sign3A_39 = arith.extui %sign3A_38 : i1 to i32
        %sign3A_40 = arith.constant 0 : i32
        %sign3A_41 = arith.cmpi slt, %jit3A, %sign3A_40 : i32
        %sign3A_42 = arith.extui %sign3A_41 : i1 to i32
        %sign3A_43 = arith.subi %sign3A_39, %sign3A_42 : i32
        %ne3A = arith.cmpi ne, %sign3A_36, %sign3A_43 : i32
        %rem3A = arith.remsi %multiple_of3A_28, %jit3A : i32
        %ne3A_44 = arith.constant 0 : i32
        %ne3A_45 = arith.cmpi ne, %rem3A, %ne3A_44 : i32
        %and3A = arith.andi %ne3A, %ne3A_45 : i1
        %sub3A = arith.constant 1 : i32
        %sub3A_46 = arith.subi %div3A, %sub3A : i32
        %select_n3A = arith.select %and3A, %sub3A_46, %div3A : i32
        %multiple_of3A_47 = tpu.assume_multiple %select_n3A, 8 : i32
        "tpu.region"() ({
          %run_scoped3A_383 = tpu.sem_alloc : memref<!tpu.dma_semaphore, #tpu.memory_space<semaphore_mem>>
          %dma_start3A_384 = arith.constant 0 : i32
          %dma_start3A_385 = tpu.memref_slice %arg2[%multiple_of3A_47, %dma_start3A_384] : memref<1536x128xi32, #tpu.memory_space<hbm>> -> memref<8x128xi32, #tpu.memory_space<hbm>>
          %dma_start3A_386 = arith.constant 0 : i32
          %dma_start3A_387 = tpu.memref_slice %arg2[%multiple_of3A_47, %dma_start3A_386] : memref<1536x128xi32, #tpu.memory_space<hbm>> -> memref<8x128xi32, #tpu.memory_space<hbm>>
          tpu.enqueue_dma source(%dma_start3A_387 : memref<8x128xi32, #tpu.memory_space<hbm>>) target(%arg10 : memref<8x128xi32, #tpu.memory_space<vmem>>) target_semaphore(%run_scoped3A_383 : memref<!tpu.dma_semaphore, #tpu.memory_space<semaphore_mem>>)
          %dma_wait3A_388 = arith.constant 0 : i32
          %dma_wait3A_389 = tpu.memref_slice %arg2[%multiple_of3A_47, %dma_wait3A_388] : memref<1536x128xi32, #tpu.memory_space<hbm>> -> memref<8x128xi32, #tpu.memory_space<hbm>>
          %dma_wait3A_390 = arith.constant 0 : i32
          %dma_wait3A_391 = tpu.memref_slice %arg2[%multiple_of3A_47, %dma_wait3A_390] : memref<1536x128xi32, #tpu.memory_space<hbm>> -> memref<8x128xi32, #tpu.memory_space<hbm>>
          tpu.wait_dma2 semaphore(%run_scoped3A_383 : memref<!tpu.dma_semaphore, #tpu.memory_space<semaphore_mem>>) src(%dma_wait3A_391 : memref<8x128xi32, #tpu.memory_space<hbm>>) dst(%arg10 : memref<8x128xi32, #tpu.memory_space<vmem>>)
          tpu.yield
        }) : () -> ()
        "tpu.region"() ({
          %run_scoped3A_383 = tpu.sem_alloc : memref<!tpu.dma_semaphore, #tpu.memory_space<semaphore_mem>>
          %dma_start3A_384 = arith.constant 0 : i32
          %dma_start3A_385 = tpu.memref_slice %arg3[%multiple_of3A_47, %dma_start3A_384] : memref<1536x128xi32, #tpu.memory_space<hbm>> -> memref<8x128xi32, #tpu.memory_space<hbm>>
          %dma_start3A_386 = arith.constant 0 : i32
          %dma_start3A_387 = tpu.memref_slice %arg3[%multiple_of3A_47, %dma_start3A_386] : memref<1536x128xi32, #tpu.memory_space<hbm>> -> memref<8x128xi32, #tpu.memory_space<hbm>>
          tpu.enqueue_dma source(%dma_start3A_387 : memref<8x128xi32, #tpu.memory_space<hbm>>) target(%arg11 : memref<8x128xi32, #tpu.memory_space<vmem>>) target_semaphore(%run_scoped3A_383 : memref<!tpu.dma_semaphore, #tpu.memory_space<semaphore_mem>>)
          %dma_wait3A_388 = arith.constant 0 : i32
          %dma_wait3A_389 = tpu.memref_slice %arg3[%multiple_of3A_47, %dma_wait3A_388] : memref<1536x128xi32, #tpu.memory_space<hbm>> -> memref<8x128xi32, #tpu.memory_space<hbm>>
          %dma_wait3A_390 = arith.constant 0 : i32
          %dma_wait3A_391 = tpu.memref_slice %arg3[%multiple_of3A_47, %dma_wait3A_390] : memref<1536x128xi32, #tpu.memory_space<hbm>> -> memref<8x128xi32, #tpu.memory_space<hbm>>
          tpu.wait_dma2 semaphore(%run_scoped3A_383 : memref<!tpu.dma_semaphore, #tpu.memory_space<semaphore_mem>>) src(%dma_wait3A_391 : memref<8x128xi32, #tpu.memory_space<hbm>>) dst(%arg11 : memref<8x128xi32, #tpu.memory_space<vmem>>)
          tpu.yield
        }) : () -> ()
        "tpu.region"() ({
          %run_scoped3A_383 = tpu.sem_alloc : memref<!tpu.dma_semaphore, #tpu.memory_space<semaphore_mem>>
          %dma_start3A_384 = arith.constant 0 : i32
          %dma_start3A_385 = tpu.memref_slice %arg6[%multiple_of3A_28, %dma_start3A_384] : memref<196608x16xf32, #tpu.memory_space<hbm>> -> memref<1024x16xf32, #tpu.memory_space<hbm>>
          %dma_start3A_386 = arith.constant 0 : i32
          %dma_start3A_387 = tpu.memref_slice %arg6[%multiple_of3A_28, %dma_start3A_386] : memref<196608x16xf32, #tpu.memory_space<hbm>> -> memref<1024x16xf32, #tpu.memory_space<hbm>>
          tpu.enqueue_dma source(%dma_start3A_387 : memref<1024x16xf32, #tpu.memory_space<hbm>>) target(%arg14 : memref<1024x16xf32, #tpu.memory_space<vmem>>) target_semaphore(%run_scoped3A_383 : memref<!tpu.dma_semaphore, #tpu.memory_space<semaphore_mem>>)
          %dma_wait3A_388 = arith.constant 0 : i32
          %dma_wait3A_389 = tpu.memref_slice %arg6[%multiple_of3A_28, %dma_wait3A_388] : memref<196608x16xf32, #tpu.memory_space<hbm>> -> memref<1024x16xf32, #tpu.memory_space<hbm>>
          %dma_wait3A_390 = arith.constant 0 : i32
          %dma_wait3A_391 = tpu.memref_slice %arg6[%multiple_of3A_28, %dma_wait3A_390] : memref<196608x16xf32, #tpu.memory_space<hbm>> -> memref<1024x16xf32, #tpu.memory_space<hbm>>
          tpu.wait_dma2 semaphore(%run_scoped3A_383 : memref<!tpu.dma_semaphore, #tpu.memory_space<semaphore_mem>>) src(%dma_wait3A_391 : memref<1024x16xf32, #tpu.memory_space<hbm>>) dst(%arg14 : memref<1024x16xf32, #tpu.memory_space<vmem>>)
          tpu.yield
        }) : () -> ()
        "tpu.region"() ({
          %run_scoped3A_383 = tpu.sem_alloc : memref<!tpu.dma_semaphore, #tpu.memory_space<semaphore_mem>>
          %dma_start3A_384 = tpu.memref_slice %arg7[%multiple_of3A_28] : memref<196608xf32, #tpu.memory_space<hbm>> -> memref<1024xf32, #tpu.memory_space<hbm>>
          %dma_start3A_385 = tpu.memref_slice %arg7[%multiple_of3A_28] : memref<196608xf32, #tpu.memory_space<hbm>> -> memref<1024xf32, #tpu.memory_space<hbm>>
          tpu.enqueue_dma source(%dma_start3A_385 : memref<1024xf32, #tpu.memory_space<hbm>>) target(%arg15 : memref<1024xf32, #tpu.memory_space<vmem>>) target_semaphore(%run_scoped3A_383 : memref<!tpu.dma_semaphore, #tpu.memory_space<semaphore_mem>>)
          %dma_wait3A_386 = tpu.memref_slice %arg7[%multiple_of3A_28] : memref<196608xf32, #tpu.memory_space<hbm>> -> memref<1024xf32, #tpu.memory_space<hbm>>
          %dma_wait3A_387 = tpu.memref_slice %arg7[%multiple_of3A_28] : memref<196608xf32, #tpu.memory_space<hbm>> -> memref<1024xf32, #tpu.memory_space<hbm>>
          tpu.wait_dma2 semaphore(%run_scoped3A_383 : memref<!tpu.dma_semaphore, #tpu.memory_space<semaphore_mem>>) src(%dma_wait3A_387 : memref<1024xf32, #tpu.memory_space<hbm>>) dst(%arg15 : memref<1024xf32, #tpu.memory_space<vmem>>)
          tpu.yield
        }) : () -> ()
        %dma_start3A = arith.constant 0 : i32
        %dma_start3A_48 = arith.constant 0 : i32
        %dma_start3A_49 = arith.constant 0 : i32
        %dma_start3A_50 = tpu.memref_slice %arg12[%dma_start3A_48, %dma_start3A_49] : memref<1024x16xf32, #tpu.memory_space<vmem>> -> memref<128x16xf32, #tpu.memory_space<vmem>>
        %dma_start3A_51 = arith.constant 0 : i32
        %dma_start3A_52 = tpu.memref_slice %arg10[%dma_start3A, %dma_start3A_51] : memref<8x128xi32, #tpu.memory_space<vmem>> -> memref<1x128xi32, #tpu.memory_space<vmem>>
        %dma_start3A_53 = tpu.memref_squeeze %dma_start3A_52 : memref<1x128xi32, #tpu.memory_space<vmem>> -> memref<128xi32, #tpu.memory_space<vmem>>
        %dma_start3A_54 = arith.constant 0 : i32
        %dma_start3A_55 = arith.constant 0 : i32
        %dma_start3A_56 = tpu.memref_slice %arg4[%dma_start3A_54, %dma_start3A_55] : memref<10240x16xf32, #tpu.memory_space<hbm>> -> memref<10240x16xf32, #tpu.memory_space<hbm>>
        tpu.enqueue_indirect_dma source(%dma_start3A_56 : memref<10240x16xf32, #tpu.memory_space<hbm>>) target(%dma_start3A_50 : memref<128x16xf32, #tpu.memory_space<vmem>>) offsets(%dma_start3A_53 : memref<128xi32, #tpu.memory_space<vmem>>) semaphore(%arg19 : memref<!tpu.dma_semaphore, #tpu.memory_space<semaphore_mem>>)
        %dma_start3A_57 = arith.constant 1 : i32
        %dma_start3A_58 = arith.constant 128 : i32
        %dma_start3A_59 = arith.constant 0 : i32
        %dma_start3A_60 = tpu.memref_slice %arg12[%dma_start3A_58, %dma_start3A_59] : memref<1024x16xf32, #tpu.memory_space<vmem>> -> memref<128x16xf32, #tpu.memory_space<vmem>>
        %dma_start3A_61 = arith.constant 0 : i32
        %dma_start3A_62 = tpu.memref_slice %arg10[%dma_start3A_57, %dma_start3A_61] : memref<8x128xi32, #tpu.memory_space<vmem>> -> memref<1x128xi32, #tpu.memory_space<vmem>>
        %dma_start3A_63 = tpu.memref_squeeze %dma_start3A_62 : memref<1x128xi32, #tpu.memory_space<vmem>> -> memref<128xi32, #tpu.memory_space<vmem>>
        %dma_start3A_64 = arith.constant 0 : i32
        %dma_start3A_65 = arith.constant 0 : i32
        %dma_start3A_66 = tpu.memref_slice %arg4[%dma_start3A_64, %dma_start3A_65] : memref<10240x16xf32, #tpu.memory_space<hbm>> -> memref<10240x16xf32, #tpu.memory_space<hbm>>
        tpu.enqueue_indirect_dma source(%dma_start3A_66 : memref<10240x16xf32, #tpu.memory_space<hbm>>) target(%dma_start3A_60 : memref<128x16xf32, #tpu.memory_space<vmem>>) offsets(%dma_start3A_63 : memref<128xi32, #tpu.memory_space<vmem>>) semaphore(%arg19 : memref<!tpu.dma_semaphore, #tpu.memory_space<semaphore_mem>>)
        %dma_start3A_67 = arith.constant 2 : i32
        %dma_start3A_68 = arith.constant 256 : i32
        %dma_start3A_69 = arith.constant 0 : i32
        %dma_start3A_70 = tpu.memref_slice %arg12[%dma_start3A_68, %dma_start3A_69] : memref<1024x16xf32, #tpu.memory_space<vmem>> -> memref<128x16xf32, #tpu.memory_space<vmem>>
        %dma_start3A_71 = arith.constant 0 : i32
        %dma_start3A_72 = tpu.memref_slice %arg10[%dma_start3A_67, %dma_start3A_71] : memref<8x128xi32, #tpu.memory_space<vmem>> -> memref<1x128xi32, #tpu.memory_space<vmem>>
        %dma_start3A_73 = tpu.memref_squeeze %dma_start3A_72 : memref<1x128xi32, #tpu.memory_space<vmem>> -> memref<128xi32, #tpu.memory_space<vmem>>
        %dma_start3A_74 = arith.constant 0 : i32
        %dma_start3A_75 = arith.constant 0 : i32
        %dma_start3A_76 = tpu.memref_slice %arg4[%dma_start3A_74, %dma_start3A_75] : memref<10240x16xf32, #tpu.memory_space<hbm>> -> memref<10240x16xf32, #tpu.memory_space<hbm>>
        tpu.enqueue_indirect_dma source(%dma_start3A_76 : memref<10240x16xf32, #tpu.memory_space<hbm>>) target(%dma_start3A_70 : memref<128x16xf32, #tpu.memory_space<vmem>>) offsets(%dma_start3A_73 : memref<128xi32, #tpu.memory_space<vmem>>) semaphore(%arg19 : memref<!tpu.dma_semaphore, #tpu.memory_space<semaphore_mem>>)
        %dma_start3A_77 = arith.constant 3 : i32
        %dma_start3A_78 = arith.constant 384 : i32
        %dma_start3A_79 = arith.constant 0 : i32
        %dma_start3A_80 = tpu.memref_slice %arg12[%dma_start3A_78, %dma_start3A_79] : memref<1024x16xf32, #tpu.memory_space<vmem>> -> memref<128x16xf32, #tpu.memory_space<vmem>>
        %dma_start3A_81 = arith.constant 0 : i32
        %dma_start3A_82 = tpu.memref_slice %arg10[%dma_start3A_77, %dma_start3A_81] : memref<8x128xi32, #tpu.memory_space<vmem>> -> memref<1x128xi32, #tpu.memory_space<vmem>>
        %dma_start3A_83 = tpu.memref_squeeze %dma_start3A_82 : memref<1x128xi32, #tpu.memory_space<vmem>> -> memref<128xi32, #tpu.memory_space<vmem>>
        %dma_start3A_84 = arith.constant 0 : i32
        %dma_start3A_85 = arith.constant 0 : i32
        %dma_start3A_86 = tpu.memref_slice %arg4[%dma_start3A_84, %dma_start3A_85] : memref<10240x16xf32, #tpu.memory_space<hbm>> -> memref<10240x16xf32, #tpu.memory_space<hbm>>
        tpu.enqueue_indirect_dma source(%dma_start3A_86 : memref<10240x16xf32, #tpu.memory_space<hbm>>) target(%dma_start3A_80 : memref<128x16xf32, #tpu.memory_space<vmem>>) offsets(%dma_start3A_83 : memref<128xi32, #tpu.memory_space<vmem>>) semaphore(%arg19 : memref<!tpu.dma_semaphore, #tpu.memory_space<semaphore_mem>>)
        %dma_start3A_87 = arith.constant 4 : i32
        %dma_start3A_88 = arith.constant 512 : i32
        %dma_start3A_89 = arith.constant 0 : i32
        %dma_start3A_90 = tpu.memref_slice %arg12[%dma_start3A_88, %dma_start3A_89] : memref<1024x16xf32, #tpu.memory_space<vmem>> -> memref<128x16xf32, #tpu.memory_space<vmem>>
        %dma_start3A_91 = arith.constant 0 : i32
        %dma_start3A_92 = tpu.memref_slice %arg10[%dma_start3A_87, %dma_start3A_91] : memref<8x128xi32, #tpu.memory_space<vmem>> -> memref<1x128xi32, #tpu.memory_space<vmem>>
        %dma_start3A_93 = tpu.memref_squeeze %dma_start3A_92 : memref<1x128xi32, #tpu.memory_space<vmem>> -> memref<128xi32, #tpu.memory_space<vmem>>
        %dma_start3A_94 = arith.constant 0 : i32
        %dma_start3A_95 = arith.constant 0 : i32
        %dma_start3A_96 = tpu.memref_slice %arg4[%dma_start3A_94, %dma_start3A_95] : memref<10240x16xf32, #tpu.memory_space<hbm>> -> memref<10240x16xf32, #tpu.memory_space<hbm>>
        tpu.enqueue_indirect_dma source(%dma_start3A_96 : memref<10240x16xf32, #tpu.memory_space<hbm>>) target(%dma_start3A_90 : memref<128x16xf32, #tpu.memory_space<vmem>>) offsets(%dma_start3A_93 : memref<128xi32, #tpu.memory_space<vmem>>) semaphore(%arg19 : memref<!tpu.dma_semaphore, #tpu.memory_space<semaphore_mem>>)
        %dma_start3A_97 = arith.constant 5 : i32
        %dma_start3A_98 = arith.constant 640 : i32
        %dma_start3A_99 = arith.constant 0 : i32
        %dma_start3A_100 = tpu.memref_slice %arg12[%dma_start3A_98, %dma_start3A_99] : memref<1024x16xf32, #tpu.memory_space<vmem>> -> memref<128x16xf32, #tpu.memory_space<vmem>>
        %dma_start3A_101 = arith.constant 0 : i32
        %dma_start3A_102 = tpu.memref_slice %arg10[%dma_start3A_97, %dma_start3A_101] : memref<8x128xi32, #tpu.memory_space<vmem>> -> memref<1x128xi32, #tpu.memory_space<vmem>>
        %dma_start3A_103 = tpu.memref_squeeze %dma_start3A_102 : memref<1x128xi32, #tpu.memory_space<vmem>> -> memref<128xi32, #tpu.memory_space<vmem>>
        %dma_start3A_104 = arith.constant 0 : i32
        %dma_start3A_105 = arith.constant 0 : i32
        %dma_start3A_106 = tpu.memref_slice %arg4[%dma_start3A_104, %dma_start3A_105] : memref<10240x16xf32, #tpu.memory_space<hbm>> -> memref<10240x16xf32, #tpu.memory_space<hbm>>
        tpu.enqueue_indirect_dma source(%dma_start3A_106 : memref<10240x16xf32, #tpu.memory_space<hbm>>) target(%dma_start3A_100 : memref<128x16xf32, #tpu.memory_space<vmem>>) offsets(%dma_start3A_103 : memref<128xi32, #tpu.memory_space<vmem>>) semaphore(%arg19 : memref<!tpu.dma_semaphore, #tpu.memory_space<semaphore_mem>>)
        %dma_start3A_107 = arith.constant 6 : i32
        %dma_start3A_108 = arith.constant 768 : i32
        %dma_start3A_109 = arith.constant 0 : i32
        %dma_start3A_110 = tpu.memref_slice %arg12[%dma_start3A_108, %dma_start3A_109] : memref<1024x16xf32, #tpu.memory_space<vmem>> -> memref<128x16xf32, #tpu.memory_space<vmem>>
        %dma_start3A_111 = arith.constant 0 : i32
        %dma_start3A_112 = tpu.memref_slice %arg10[%dma_start3A_107, %dma_start3A_111] : memref<8x128xi32, #tpu.memory_space<vmem>> -> memref<1x128xi32, #tpu.memory_space<vmem>>
        %dma_start3A_113 = tpu.memref_squeeze %dma_start3A_112 : memref<1x128xi32, #tpu.memory_space<vmem>> -> memref<128xi32, #tpu.memory_space<vmem>>
        %dma_start3A_114 = arith.constant 0 : i32
        %dma_start3A_115 = arith.constant 0 : i32
        %dma_start3A_116 = tpu.memref_slice %arg4[%dma_start3A_114, %dma_start3A_115] : memref<10240x16xf32, #tpu.memory_space<hbm>> -> memref<10240x16xf32, #tpu.memory_space<hbm>>
        tpu.enqueue_indirect_dma source(%dma_start3A_116 : memref<10240x16xf32, #tpu.memory_space<hbm>>) target(%dma_start3A_110 : memref<128x16xf32, #tpu.memory_space<vmem>>) offsets(%dma_start3A_113 : memref<128xi32, #tpu.memory_space<vmem>>) semaphore(%arg19 : memref<!tpu.dma_semaphore, #tpu.memory_space<semaphore_mem>>)
        %dma_start3A_117 = arith.constant 7 : i32
        %dma_start3A_118 = arith.constant 896 : i32
        %dma_start3A_119 = arith.constant 0 : i32
        %dma_start3A_120 = tpu.memref_slice %arg12[%dma_start3A_118, %dma_start3A_119] : memref<1024x16xf32, #tpu.memory_space<vmem>> -> memref<128x16xf32, #tpu.memory_space<vmem>>
        %dma_start3A_121 = arith.constant 0 : i32
        %dma_start3A_122 = tpu.memref_slice %arg10[%dma_start3A_117, %dma_start3A_121] : memref<8x128xi32, #tpu.memory_space<vmem>> -> memref<1x128xi32, #tpu.memory_space<vmem>>
        %dma_start3A_123 = tpu.memref_squeeze %dma_start3A_122 : memref<1x128xi32, #tpu.memory_space<vmem>> -> memref<128xi32, #tpu.memory_space<vmem>>
        %dma_start3A_124 = arith.constant 0 : i32
        %dma_start3A_125 = arith.constant 0 : i32
        %dma_start3A_126 = tpu.memref_slice %arg4[%dma_start3A_124, %dma_start3A_125] : memref<10240x16xf32, #tpu.memory_space<hbm>> -> memref<10240x16xf32, #tpu.memory_space<hbm>>
        tpu.enqueue_indirect_dma source(%dma_start3A_126 : memref<10240x16xf32, #tpu.memory_space<hbm>>) target(%dma_start3A_120 : memref<128x16xf32, #tpu.memory_space<vmem>>) offsets(%dma_start3A_123 : memref<128xi32, #tpu.memory_space<vmem>>) semaphore(%arg19 : memref<!tpu.dma_semaphore, #tpu.memory_space<semaphore_mem>>)
        %dma_start3A_127 = arith.constant 0 : i32
        %dma_start3A_128 = arith.constant 0 : i32
        %dma_start3A_129 = arith.constant 0 : i32
        %dma_start3A_130 = tpu.memref_slice %arg13[%dma_start3A_128, %dma_start3A_129] : memref<1024x16xf32, #tpu.memory_space<vmem>> -> memref<128x16xf32, #tpu.memory_space<vmem>>
        %dma_start3A_131 = arith.constant 0 : i32
        %dma_start3A_132 = tpu.memref_slice %arg11[%dma_start3A_127, %dma_start3A_131] : memref<8x128xi32, #tpu.memory_space<vmem>> -> memref<1x128xi32, #tpu.memory_space<vmem>>
        %dma_start3A_133 = tpu.memref_squeeze %dma_start3A_132 : memref<1x128xi32, #tpu.memory_space<vmem>> -> memref<128xi32, #tpu.memory_space<vmem>>
        %dma_start3A_134 = arith.constant 0 : i32
        %dma_start3A_135 = arith.constant 0 : i32
        %dma_start3A_136 = tpu.memref_slice %arg5[%dma_start3A_134, %dma_start3A_135] : memref<10240x16xf32, #tpu.memory_space<hbm>> -> memref<10240x16xf32, #tpu.memory_space<hbm>>
        tpu.enqueue_indirect_dma source(%dma_start3A_136 : memref<10240x16xf32, #tpu.memory_space<hbm>>) target(%dma_start3A_130 : memref<128x16xf32, #tpu.memory_space<vmem>>) offsets(%dma_start3A_133 : memref<128xi32, #tpu.memory_space<vmem>>) semaphore(%arg19 : memref<!tpu.dma_semaphore, #tpu.memory_space<semaphore_mem>>)
        %dma_start3A_137 = arith.constant 1 : i32
        %dma_start3A_138 = arith.constant 128 : i32
        %dma_start3A_139 = arith.constant 0 : i32
        %dma_start3A_140 = tpu.memref_slice %arg13[%dma_start3A_138, %dma_start3A_139] : memref<1024x16xf32, #tpu.memory_space<vmem>> -> memref<128x16xf32, #tpu.memory_space<vmem>>
        %dma_start3A_141 = arith.constant 0 : i32
        %dma_start3A_142 = tpu.memref_slice %arg11[%dma_start3A_137, %dma_start3A_141] : memref<8x128xi32, #tpu.memory_space<vmem>> -> memref<1x128xi32, #tpu.memory_space<vmem>>
        %dma_start3A_143 = tpu.memref_squeeze %dma_start3A_142 : memref<1x128xi32, #tpu.memory_space<vmem>> -> memref<128xi32, #tpu.memory_space<vmem>>
        %dma_start3A_144 = arith.constant 0 : i32
        %dma_start3A_145 = arith.constant 0 : i32
        %dma_start3A_146 = tpu.memref_slice %arg5[%dma_start3A_144, %dma_start3A_145] : memref<10240x16xf32, #tpu.memory_space<hbm>> -> memref<10240x16xf32, #tpu.memory_space<hbm>>
        tpu.enqueue_indirect_dma source(%dma_start3A_146 : memref<10240x16xf32, #tpu.memory_space<hbm>>) target(%dma_start3A_140 : memref<128x16xf32, #tpu.memory_space<vmem>>) offsets(%dma_start3A_143 : memref<128xi32, #tpu.memory_space<vmem>>) semaphore(%arg19 : memref<!tpu.dma_semaphore, #tpu.memory_space<semaphore_mem>>)
        %dma_start3A_147 = arith.constant 2 : i32
        %dma_start3A_148 = arith.constant 256 : i32
        %dma_start3A_149 = arith.constant 0 : i32
        %dma_start3A_150 = tpu.memref_slice %arg13[%dma_start3A_148, %dma_start3A_149] : memref<1024x16xf32, #tpu.memory_space<vmem>> -> memref<128x16xf32, #tpu.memory_space<vmem>>
        %dma_start3A_151 = arith.constant 0 : i32
        %dma_start3A_152 = tpu.memref_slice %arg11[%dma_start3A_147, %dma_start3A_151] : memref<8x128xi32, #tpu.memory_space<vmem>> -> memref<1x128xi32, #tpu.memory_space<vmem>>
        %dma_start3A_153 = tpu.memref_squeeze %dma_start3A_152 : memref<1x128xi32, #tpu.memory_space<vmem>> -> memref<128xi32, #tpu.memory_space<vmem>>
        %dma_start3A_154 = arith.constant 0 : i32
        %dma_start3A_155 = arith.constant 0 : i32
        %dma_start3A_156 = tpu.memref_slice %arg5[%dma_start3A_154, %dma_start3A_155] : memref<10240x16xf32, #tpu.memory_space<hbm>> -> memref<10240x16xf32, #tpu.memory_space<hbm>>
        tpu.enqueue_indirect_dma source(%dma_start3A_156 : memref<10240x16xf32, #tpu.memory_space<hbm>>) target(%dma_start3A_150 : memref<128x16xf32, #tpu.memory_space<vmem>>) offsets(%dma_start3A_153 : memref<128xi32, #tpu.memory_space<vmem>>) semaphore(%arg19 : memref<!tpu.dma_semaphore, #tpu.memory_space<semaphore_mem>>)
        %dma_start3A_157 = arith.constant 3 : i32
        %dma_start3A_158 = arith.constant 384 : i32
        %dma_start3A_159 = arith.constant 0 : i32
        %dma_start3A_160 = tpu.memref_slice %arg13[%dma_start3A_158, %dma_start3A_159] : memref<1024x16xf32, #tpu.memory_space<vmem>> -> memref<128x16xf32, #tpu.memory_space<vmem>>
        %dma_start3A_161 = arith.constant 0 : i32
        %dma_start3A_162 = tpu.memref_slice %arg11[%dma_start3A_157, %dma_start3A_161] : memref<8x128xi32, #tpu.memory_space<vmem>> -> memref<1x128xi32, #tpu.memory_space<vmem>>
        %dma_start3A_163 = tpu.memref_squeeze %dma_start3A_162 : memref<1x128xi32, #tpu.memory_space<vmem>> -> memref<128xi32, #tpu.memory_space<vmem>>
        %dma_start3A_164 = arith.constant 0 : i32
        %dma_start3A_165 = arith.constant 0 : i32
        %dma_start3A_166 = tpu.memref_slice %arg5[%dma_start3A_164, %dma_start3A_165] : memref<10240x16xf32, #tpu.memory_space<hbm>> -> memref<10240x16xf32, #tpu.memory_space<hbm>>
        tpu.enqueue_indirect_dma source(%dma_start3A_166 : memref<10240x16xf32, #tpu.memory_space<hbm>>) target(%dma_start3A_160 : memref<128x16xf32, #tpu.memory_space<vmem>>) offsets(%dma_start3A_163 : memref<128xi32, #tpu.memory_space<vmem>>) semaphore(%arg19 : memref<!tpu.dma_semaphore, #tpu.memory_space<semaphore_mem>>)
        %dma_start3A_167 = arith.constant 4 : i32
        %dma_start3A_168 = arith.constant 512 : i32
        %dma_start3A_169 = arith.constant 0 : i32
        %dma_start3A_170 = tpu.memref_slice %arg13[%dma_start3A_168, %dma_start3A_169] : memref<1024x16xf32, #tpu.memory_space<vmem>> -> memref<128x16xf32, #tpu.memory_space<vmem>>
        %dma_start3A_171 = arith.constant 0 : i32
        %dma_start3A_172 = tpu.memref_slice %arg11[%dma_start3A_167, %dma_start3A_171] : memref<8x128xi32, #tpu.memory_space<vmem>> -> memref<1x128xi32, #tpu.memory_space<vmem>>
        %dma_start3A_173 = tpu.memref_squeeze %dma_start3A_172 : memref<1x128xi32, #tpu.memory_space<vmem>> -> memref<128xi32, #tpu.memory_space<vmem>>
        %dma_start3A_174 = arith.constant 0 : i32
        %dma_start3A_175 = arith.constant 0 : i32
        %dma_start3A_176 = tpu.memref_slice %arg5[%dma_start3A_174, %dma_start3A_175] : memref<10240x16xf32, #tpu.memory_space<hbm>> -> memref<10240x16xf32, #tpu.memory_space<hbm>>
        tpu.enqueue_indirect_dma source(%dma_start3A_176 : memref<10240x16xf32, #tpu.memory_space<hbm>>) target(%dma_start3A_170 : memref<128x16xf32, #tpu.memory_space<vmem>>) offsets(%dma_start3A_173 : memref<128xi32, #tpu.memory_space<vmem>>) semaphore(%arg19 : memref<!tpu.dma_semaphore, #tpu.memory_space<semaphore_mem>>)
        %dma_start3A_177 = arith.constant 5 : i32
        %dma_start3A_178 = arith.constant 640 : i32
        %dma_start3A_179 = arith.constant 0 : i32
        %dma_start3A_180 = tpu.memref_slice %arg13[%dma_start3A_178, %dma_start3A_179] : memref<1024x16xf32, #tpu.memory_space<vmem>> -> memref<128x16xf32, #tpu.memory_space<vmem>>
        %dma_start3A_181 = arith.constant 0 : i32
        %dma_start3A_182 = tpu.memref_slice %arg11[%dma_start3A_177, %dma_start3A_181] : memref<8x128xi32, #tpu.memory_space<vmem>> -> memref<1x128xi32, #tpu.memory_space<vmem>>
        %dma_start3A_183 = tpu.memref_squeeze %dma_start3A_182 : memref<1x128xi32, #tpu.memory_space<vmem>> -> memref<128xi32, #tpu.memory_space<vmem>>
        %dma_start3A_184 = arith.constant 0 : i32
        %dma_start3A_185 = arith.constant 0 : i32
        %dma_start3A_186 = tpu.memref_slice %arg5[%dma_start3A_184, %dma_start3A_185] : memref<10240x16xf32, #tpu.memory_space<hbm>> -> memref<10240x16xf32, #tpu.memory_space<hbm>>
        tpu.enqueue_indirect_dma source(%dma_start3A_186 : memref<10240x16xf32, #tpu.memory_space<hbm>>) target(%dma_start3A_180 : memref<128x16xf32, #tpu.memory_space<vmem>>) offsets(%dma_start3A_183 : memref<128xi32, #tpu.memory_space<vmem>>) semaphore(%arg19 : memref<!tpu.dma_semaphore, #tpu.memory_space<semaphore_mem>>)
        %dma_start3A_187 = arith.constant 6 : i32
        %dma_start3A_188 = arith.constant 768 : i32
        %dma_start3A_189 = arith.constant 0 : i32
        %dma_start3A_190 = tpu.memref_slice %arg13[%dma_start3A_188, %dma_start3A_189] : memref<1024x16xf32, #tpu.memory_space<vmem>> -> memref<128x16xf32, #tpu.memory_space<vmem>>
        %dma_start3A_191 = arith.constant 0 : i32
        %dma_start3A_192 = tpu.memref_slice %arg11[%dma_start3A_187, %dma_start3A_191] : memref<8x128xi32, #tpu.memory_space<vmem>> -> memref<1x128xi32, #tpu.memory_space<vmem>>
        %dma_start3A_193 = tpu.memref_squeeze %dma_start3A_192 : memref<1x128xi32, #tpu.memory_space<vmem>> -> memref<128xi32, #tpu.memory_space<vmem>>
        %dma_start3A_194 = arith.constant 0 : i32
        %dma_start3A_195 = arith.constant 0 : i32
        %dma_start3A_196 = tpu.memref_slice %arg5[%dma_start3A_194, %dma_start3A_195] : memref<10240x16xf32, #tpu.memory_space<hbm>> -> memref<10240x16xf32, #tpu.memory_space<hbm>>
        tpu.enqueue_indirect_dma source(%dma_start3A_196 : memref<10240x16xf32, #tpu.memory_space<hbm>>) target(%dma_start3A_190 : memref<128x16xf32, #tpu.memory_space<vmem>>) offsets(%dma_start3A_193 : memref<128xi32, #tpu.memory_space<vmem>>) semaphore(%arg19 : memref<!tpu.dma_semaphore, #tpu.memory_space<semaphore_mem>>)
        %dma_start3A_197 = arith.constant 7 : i32
        %dma_start3A_198 = arith.constant 896 : i32
        %dma_start3A_199 = arith.constant 0 : i32
        %dma_start3A_200 = tpu.memref_slice %arg13[%dma_start3A_198, %dma_start3A_199] : memref<1024x16xf32, #tpu.memory_space<vmem>> -> memref<128x16xf32, #tpu.memory_space<vmem>>
        %dma_start3A_201 = arith.constant 0 : i32
        %dma_start3A_202 = tpu.memref_slice %arg11[%dma_start3A_197, %dma_start3A_201] : memref<8x128xi32, #tpu.memory_space<vmem>> -> memref<1x128xi32, #tpu.memory_space<vmem>>
        %dma_start3A_203 = tpu.memref_squeeze %dma_start3A_202 : memref<1x128xi32, #tpu.memory_space<vmem>> -> memref<128xi32, #tpu.memory_space<vmem>>
        %dma_start3A_204 = arith.constant 0 : i32
        %dma_start3A_205 = arith.constant 0 : i32
        %dma_start3A_206 = tpu.memref_slice %arg5[%dma_start3A_204, %dma_start3A_205] : memref<10240x16xf32, #tpu.memory_space<hbm>> -> memref<10240x16xf32, #tpu.memory_space<hbm>>
        tpu.enqueue_indirect_dma source(%dma_start3A_206 : memref<10240x16xf32, #tpu.memory_space<hbm>>) target(%dma_start3A_200 : memref<128x16xf32, #tpu.memory_space<vmem>>) offsets(%dma_start3A_203 : memref<128xi32, #tpu.memory_space<vmem>>) semaphore(%arg19 : memref<!tpu.dma_semaphore, #tpu.memory_space<semaphore_mem>>)
        %dma_wait3A = arith.constant 0 : i32
        %dma_wait3A_207 = arith.constant 0 : i32
        %dma_wait3A_208 = arith.constant 0 : i32
        %dma_wait3A_209 = tpu.memref_slice %arg12[%dma_wait3A_207, %dma_wait3A_208] : memref<1024x16xf32, #tpu.memory_space<vmem>> -> memref<128x16xf32, #tpu.memory_space<vmem>>
        %dma_wait3A_210 = arith.constant 0 : i32
        %dma_wait3A_211 = tpu.memref_slice %arg10[%dma_wait3A, %dma_wait3A_210] : memref<8x128xi32, #tpu.memory_space<vmem>> -> memref<1x128xi32, #tpu.memory_space<vmem>>
        %dma_wait3A_212 = tpu.memref_squeeze %dma_wait3A_211 : memref<1x128xi32, #tpu.memory_space<vmem>> -> memref<128xi32, #tpu.memory_space<vmem>>
        %dma_wait3A_213 = arith.constant 0 : i32
        %dma_wait3A_214 = arith.constant 0 : i32
        %dma_wait3A_215 = tpu.memref_slice %arg4[%dma_wait3A_213, %dma_wait3A_214] : memref<10240x16xf32, #tpu.memory_space<hbm>> -> memref<10240x16xf32, #tpu.memory_space<hbm>>
        tpu.wait_indirect_dma semaphore(%arg19 : memref<!tpu.dma_semaphore, #tpu.memory_space<semaphore_mem>>) src(%dma_wait3A_215 : memref<10240x16xf32, #tpu.memory_space<hbm>>) dst(%dma_wait3A_209 : memref<128x16xf32, #tpu.memory_space<vmem>>)
        %dma_wait3A_216 = arith.constant 1 : i32
        %dma_wait3A_217 = arith.constant 128 : i32
        %dma_wait3A_218 = arith.constant 0 : i32
        %dma_wait3A_219 = tpu.memref_slice %arg12[%dma_wait3A_217, %dma_wait3A_218] : memref<1024x16xf32, #tpu.memory_space<vmem>> -> memref<128x16xf32, #tpu.memory_space<vmem>>
        %dma_wait3A_220 = arith.constant 0 : i32
        %dma_wait3A_221 = tpu.memref_slice %arg10[%dma_wait3A_216, %dma_wait3A_220] : memref<8x128xi32, #tpu.memory_space<vmem>> -> memref<1x128xi32, #tpu.memory_space<vmem>>
        %dma_wait3A_222 = tpu.memref_squeeze %dma_wait3A_221 : memref<1x128xi32, #tpu.memory_space<vmem>> -> memref<128xi32, #tpu.memory_space<vmem>>
        %dma_wait3A_223 = arith.constant 0 : i32
        %dma_wait3A_224 = arith.constant 0 : i32
        %dma_wait3A_225 = tpu.memref_slice %arg4[%dma_wait3A_223, %dma_wait3A_224] : memref<10240x16xf32, #tpu.memory_space<hbm>> -> memref<10240x16xf32, #tpu.memory_space<hbm>>
        tpu.wait_indirect_dma semaphore(%arg19 : memref<!tpu.dma_semaphore, #tpu.memory_space<semaphore_mem>>) src(%dma_wait3A_225 : memref<10240x16xf32, #tpu.memory_space<hbm>>) dst(%dma_wait3A_219 : memref<128x16xf32, #tpu.memory_space<vmem>>)
        %dma_wait3A_226 = arith.constant 2 : i32
        %dma_wait3A_227 = arith.constant 256 : i32
        %dma_wait3A_228 = arith.constant 0 : i32
        %dma_wait3A_229 = tpu.memref_slice %arg12[%dma_wait3A_227, %dma_wait3A_228] : memref<1024x16xf32, #tpu.memory_space<vmem>> -> memref<128x16xf32, #tpu.memory_space<vmem>>
        %dma_wait3A_230 = arith.constant 0 : i32
        %dma_wait3A_231 = tpu.memref_slice %arg10[%dma_wait3A_226, %dma_wait3A_230] : memref<8x128xi32, #tpu.memory_space<vmem>> -> memref<1x128xi32, #tpu.memory_space<vmem>>
        %dma_wait3A_232 = tpu.memref_squeeze %dma_wait3A_231 : memref<1x128xi32, #tpu.memory_space<vmem>> -> memref<128xi32, #tpu.memory_space<vmem>>
        %dma_wait3A_233 = arith.constant 0 : i32
        %dma_wait3A_234 = arith.constant 0 : i32
        %dma_wait3A_235 = tpu.memref_slice %arg4[%dma_wait3A_233, %dma_wait3A_234] : memref<10240x16xf32, #tpu.memory_space<hbm>> -> memref<10240x16xf32, #tpu.memory_space<hbm>>
        tpu.wait_indirect_dma semaphore(%arg19 : memref<!tpu.dma_semaphore, #tpu.memory_space<semaphore_mem>>) src(%dma_wait3A_235 : memref<10240x16xf32, #tpu.memory_space<hbm>>) dst(%dma_wait3A_229 : memref<128x16xf32, #tpu.memory_space<vmem>>)
        %dma_wait3A_236 = arith.constant 3 : i32
        %dma_wait3A_237 = arith.constant 384 : i32
        %dma_wait3A_238 = arith.constant 0 : i32
        %dma_wait3A_239 = tpu.memref_slice %arg12[%dma_wait3A_237, %dma_wait3A_238] : memref<1024x16xf32, #tpu.memory_space<vmem>> -> memref<128x16xf32, #tpu.memory_space<vmem>>
        %dma_wait3A_240 = arith.constant 0 : i32
        %dma_wait3A_241 = tpu.memref_slice %arg10[%dma_wait3A_236, %dma_wait3A_240] : memref<8x128xi32, #tpu.memory_space<vmem>> -> memref<1x128xi32, #tpu.memory_space<vmem>>
        %dma_wait3A_242 = tpu.memref_squeeze %dma_wait3A_241 : memref<1x128xi32, #tpu.memory_space<vmem>> -> memref<128xi32, #tpu.memory_space<vmem>>
        %dma_wait3A_243 = arith.constant 0 : i32
        %dma_wait3A_244 = arith.constant 0 : i32
        %dma_wait3A_245 = tpu.memref_slice %arg4[%dma_wait3A_243, %dma_wait3A_244] : memref<10240x16xf32, #tpu.memory_space<hbm>> -> memref<10240x16xf32, #tpu.memory_space<hbm>>
        tpu.wait_indirect_dma semaphore(%arg19 : memref<!tpu.dma_semaphore, #tpu.memory_space<semaphore_mem>>) src(%dma_wait3A_245 : memref<10240x16xf32, #tpu.memory_space<hbm>>) dst(%dma_wait3A_239 : memref<128x16xf32, #tpu.memory_space<vmem>>)
        %dma_wait3A_246 = arith.constant 4 : i32
        %dma_wait3A_247 = arith.constant 512 : i32
        %dma_wait3A_248 = arith.constant 0 : i32
        %dma_wait3A_249 = tpu.memref_slice %arg12[%dma_wait3A_247, %dma_wait3A_248] : memref<1024x16xf32, #tpu.memory_space<vmem>> -> memref<128x16xf32, #tpu.memory_space<vmem>>
        %dma_wait3A_250 = arith.constant 0 : i32
        %dma_wait3A_251 = tpu.memref_slice %arg10[%dma_wait3A_246, %dma_wait3A_250] : memref<8x128xi32, #tpu.memory_space<vmem>> -> memref<1x128xi32, #tpu.memory_space<vmem>>
        %dma_wait3A_252 = tpu.memref_squeeze %dma_wait3A_251 : memref<1x128xi32, #tpu.memory_space<vmem>> -> memref<128xi32, #tpu.memory_space<vmem>>
        %dma_wait3A_253 = arith.constant 0 : i32
        %dma_wait3A_254 = arith.constant 0 : i32
        %dma_wait3A_255 = tpu.memref_slice %arg4[%dma_wait3A_253, %dma_wait3A_254] : memref<10240x16xf32, #tpu.memory_space<hbm>> -> memref<10240x16xf32, #tpu.memory_space<hbm>>
        tpu.wait_indirect_dma semaphore(%arg19 : memref<!tpu.dma_semaphore, #tpu.memory_space<semaphore_mem>>) src(%dma_wait3A_255 : memref<10240x16xf32, #tpu.memory_space<hbm>>) dst(%dma_wait3A_249 : memref<128x16xf32, #tpu.memory_space<vmem>>)
        %dma_wait3A_256 = arith.constant 5 : i32
        %dma_wait3A_257 = arith.constant 640 : i32
        %dma_wait3A_258 = arith.constant 0 : i32
        %dma_wait3A_259 = tpu.memref_slice %arg12[%dma_wait3A_257, %dma_wait3A_258] : memref<1024x16xf32, #tpu.memory_space<vmem>> -> memref<128x16xf32, #tpu.memory_space<vmem>>
        %dma_wait3A_260 = arith.constant 0 : i32
        %dma_wait3A_261 = tpu.memref_slice %arg10[%dma_wait3A_256, %dma_wait3A_260] : memref<8x128xi32, #tpu.memory_space<vmem>> -> memref<1x128xi32, #tpu.memory_space<vmem>>
        %dma_wait3A_262 = tpu.memref_squeeze %dma_wait3A_261 : memref<1x128xi32, #tpu.memory_space<vmem>> -> memref<128xi32, #tpu.memory_space<vmem>>
        %dma_wait3A_263 = arith.constant 0 : i32
        %dma_wait3A_264 = arith.constant 0 : i32
        %dma_wait3A_265 = tpu.memref_slice %arg4[%dma_wait3A_263, %dma_wait3A_264] : memref<10240x16xf32, #tpu.memory_space<hbm>> -> memref<10240x16xf32, #tpu.memory_space<hbm>>
        tpu.wait_indirect_dma semaphore(%arg19 : memref<!tpu.dma_semaphore, #tpu.memory_space<semaphore_mem>>) src(%dma_wait3A_265 : memref<10240x16xf32, #tpu.memory_space<hbm>>) dst(%dma_wait3A_259 : memref<128x16xf32, #tpu.memory_space<vmem>>)
        %dma_wait3A_266 = arith.constant 6 : i32
        %dma_wait3A_267 = arith.constant 768 : i32
        %dma_wait3A_268 = arith.constant 0 : i32
        %dma_wait3A_269 = tpu.memref_slice %arg12[%dma_wait3A_267, %dma_wait3A_268] : memref<1024x16xf32, #tpu.memory_space<vmem>> -> memref<128x16xf32, #tpu.memory_space<vmem>>
        %dma_wait3A_270 = arith.constant 0 : i32
        %dma_wait3A_271 = tpu.memref_slice %arg10[%dma_wait3A_266, %dma_wait3A_270] : memref<8x128xi32, #tpu.memory_space<vmem>> -> memref<1x128xi32, #tpu.memory_space<vmem>>
        %dma_wait3A_272 = tpu.memref_squeeze %dma_wait3A_271 : memref<1x128xi32, #tpu.memory_space<vmem>> -> memref<128xi32, #tpu.memory_space<vmem>>
        %dma_wait3A_273 = arith.constant 0 : i32
        %dma_wait3A_274 = arith.constant 0 : i32
        %dma_wait3A_275 = tpu.memref_slice %arg4[%dma_wait3A_273, %dma_wait3A_274] : memref<10240x16xf32, #tpu.memory_space<hbm>> -> memref<10240x16xf32, #tpu.memory_space<hbm>>
        tpu.wait_indirect_dma semaphore(%arg19 : memref<!tpu.dma_semaphore, #tpu.memory_space<semaphore_mem>>) src(%dma_wait3A_275 : memref<10240x16xf32, #tpu.memory_space<hbm>>) dst(%dma_wait3A_269 : memref<128x16xf32, #tpu.memory_space<vmem>>)
        %dma_wait3A_276 = arith.constant 7 : i32
        %dma_wait3A_277 = arith.constant 896 : i32
        %dma_wait3A_278 = arith.constant 0 : i32
        %dma_wait3A_279 = tpu.memref_slice %arg12[%dma_wait3A_277, %dma_wait3A_278] : memref<1024x16xf32, #tpu.memory_space<vmem>> -> memref<128x16xf32, #tpu.memory_space<vmem>>
        %dma_wait3A_280 = arith.constant 0 : i32
        %dma_wait3A_281 = tpu.memref_slice %arg10[%dma_wait3A_276, %dma_wait3A_280] : memref<8x128xi32, #tpu.memory_space<vmem>> -> memref<1x128xi32, #tpu.memory_space<vmem>>
        %dma_wait3A_282 = tpu.memref_squeeze %dma_wait3A_281 : memref<1x128xi32, #tpu.memory_space<vmem>> -> memref<128xi32, #tpu.memory_space<vmem>>
        %dma_wait3A_283 = arith.constant 0 : i32
        %dma_wait3A_284 = arith.constant 0 : i32
        %dma_wait3A_285 = tpu.memref_slice %arg4[%dma_wait3A_283, %dma_wait3A_284] : memref<10240x16xf32, #tpu.memory_space<hbm>> -> memref<10240x16xf32, #tpu.memory_space<hbm>>
        tpu.wait_indirect_dma semaphore(%arg19 : memref<!tpu.dma_semaphore, #tpu.memory_space<semaphore_mem>>) src(%dma_wait3A_285 : memref<10240x16xf32, #tpu.memory_space<hbm>>) dst(%dma_wait3A_279 : memref<128x16xf32, #tpu.memory_space<vmem>>)
        %dma_wait3A_286 = arith.constant 0 : i32
        %dma_wait3A_287 = arith.constant 0 : i32
        %dma_wait3A_288 = arith.constant 0 : i32
        %dma_wait3A_289 = tpu.memref_slice %arg13[%dma_wait3A_287, %dma_wait3A_288] : memref<1024x16xf32, #tpu.memory_space<vmem>> -> memref<128x16xf32, #tpu.memory_space<vmem>>
        %dma_wait3A_290 = arith.constant 0 : i32
        %dma_wait3A_291 = tpu.memref_slice %arg11[%dma_wait3A_286, %dma_wait3A_290] : memref<8x128xi32, #tpu.memory_space<vmem>> -> memref<1x128xi32, #tpu.memory_space<vmem>>
        %dma_wait3A_292 = tpu.memref_squeeze %dma_wait3A_291 : memref<1x128xi32, #tpu.memory_space<vmem>> -> memref<128xi32, #tpu.memory_space<vmem>>
        %dma_wait3A_293 = arith.constant 0 : i32
        %dma_wait3A_294 = arith.constant 0 : i32
        %dma_wait3A_295 = tpu.memref_slice %arg5[%dma_wait3A_293, %dma_wait3A_294] : memref<10240x16xf32, #tpu.memory_space<hbm>> -> memref<10240x16xf32, #tpu.memory_space<hbm>>
        tpu.wait_indirect_dma semaphore(%arg19 : memref<!tpu.dma_semaphore, #tpu.memory_space<semaphore_mem>>) src(%dma_wait3A_295 : memref<10240x16xf32, #tpu.memory_space<hbm>>) dst(%dma_wait3A_289 : memref<128x16xf32, #tpu.memory_space<vmem>>)
        %dma_wait3A_296 = arith.constant 1 : i32
        %dma_wait3A_297 = arith.constant 128 : i32
        %dma_wait3A_298 = arith.constant 0 : i32
        %dma_wait3A_299 = tpu.memref_slice %arg13[%dma_wait3A_297, %dma_wait3A_298] : memref<1024x16xf32, #tpu.memory_space<vmem>> -> memref<128x16xf32, #tpu.memory_space<vmem>>
        %dma_wait3A_300 = arith.constant 0 : i32
        %dma_wait3A_301 = tpu.memref_slice %arg11[%dma_wait3A_296, %dma_wait3A_300] : memref<8x128xi32, #tpu.memory_space<vmem>> -> memref<1x128xi32, #tpu.memory_space<vmem>>
        %dma_wait3A_302 = tpu.memref_squeeze %dma_wait3A_301 : memref<1x128xi32, #tpu.memory_space<vmem>> -> memref<128xi32, #tpu.memory_space<vmem>>
        %dma_wait3A_303 = arith.constant 0 : i32
        %dma_wait3A_304 = arith.constant 0 : i32
        %dma_wait3A_305 = tpu.memref_slice %arg5[%dma_wait3A_303, %dma_wait3A_304] : memref<10240x16xf32, #tpu.memory_space<hbm>> -> memref<10240x16xf32, #tpu.memory_space<hbm>>
        tpu.wait_indirect_dma semaphore(%arg19 : memref<!tpu.dma_semaphore, #tpu.memory_space<semaphore_mem>>) src(%dma_wait3A_305 : memref<10240x16xf32, #tpu.memory_space<hbm>>) dst(%dma_wait3A_299 : memref<128x16xf32, #tpu.memory_space<vmem>>)
        %dma_wait3A_306 = arith.constant 2 : i32
        %dma_wait3A_307 = arith.constant 256 : i32
        %dma_wait3A_308 = arith.constant 0 : i32
        %dma_wait3A_309 = tpu.memref_slice %arg13[%dma_wait3A_307, %dma_wait3A_308] : memref<1024x16xf32, #tpu.memory_space<vmem>> -> memref<128x16xf32, #tpu.memory_space<vmem>>
        %dma_wait3A_310 = arith.constant 0 : i32
        %dma_wait3A_311 = tpu.memref_slice %arg11[%dma_wait3A_306, %dma_wait3A_310] : memref<8x128xi32, #tpu.memory_space<vmem>> -> memref<1x128xi32, #tpu.memory_space<vmem>>
        %dma_wait3A_312 = tpu.memref_squeeze %dma_wait3A_311 : memref<1x128xi32, #tpu.memory_space<vmem>> -> memref<128xi32, #tpu.memory_space<vmem>>
        %dma_wait3A_313 = arith.constant 0 : i32
        %dma_wait3A_314 = arith.constant 0 : i32
        %dma_wait3A_315 = tpu.memref_slice %arg5[%dma_wait3A_313, %dma_wait3A_314] : memref<10240x16xf32, #tpu.memory_space<hbm>> -> memref<10240x16xf32, #tpu.memory_space<hbm>>
        tpu.wait_indirect_dma semaphore(%arg19 : memref<!tpu.dma_semaphore, #tpu.memory_space<semaphore_mem>>) src(%dma_wait3A_315 : memref<10240x16xf32, #tpu.memory_space<hbm>>) dst(%dma_wait3A_309 : memref<128x16xf32, #tpu.memory_space<vmem>>)
        %dma_wait3A_316 = arith.constant 3 : i32
        %dma_wait3A_317 = arith.constant 384 : i32
        %dma_wait3A_318 = arith.constant 0 : i32
        %dma_wait3A_319 = tpu.memref_slice %arg13[%dma_wait3A_317, %dma_wait3A_318] : memref<1024x16xf32, #tpu.memory_space<vmem>> -> memref<128x16xf32, #tpu.memory_space<vmem>>
        %dma_wait3A_320 = arith.constant 0 : i32
        %dma_wait3A_321 = tpu.memref_slice %arg11[%dma_wait3A_316, %dma_wait3A_320] : memref<8x128xi32, #tpu.memory_space<vmem>> -> memref<1x128xi32, #tpu.memory_space<vmem>>
        %dma_wait3A_322 = tpu.memref_squeeze %dma_wait3A_321 : memref<1x128xi32, #tpu.memory_space<vmem>> -> memref<128xi32, #tpu.memory_space<vmem>>
        %dma_wait3A_323 = arith.constant 0 : i32
        %dma_wait3A_324 = arith.constant 0 : i32
        %dma_wait3A_325 = tpu.memref_slice %arg5[%dma_wait3A_323, %dma_wait3A_324] : memref<10240x16xf32, #tpu.memory_space<hbm>> -> memref<10240x16xf32, #tpu.memory_space<hbm>>
        tpu.wait_indirect_dma semaphore(%arg19 : memref<!tpu.dma_semaphore, #tpu.memory_space<semaphore_mem>>) src(%dma_wait3A_325 : memref<10240x16xf32, #tpu.memory_space<hbm>>) dst(%dma_wait3A_319 : memref<128x16xf32, #tpu.memory_space<vmem>>)
        %dma_wait3A_326 = arith.constant 4 : i32
        %dma_wait3A_327 = arith.constant 512 : i32
        %dma_wait3A_328 = arith.constant 0 : i32
        %dma_wait3A_329 = tpu.memref_slice %arg13[%dma_wait3A_327, %dma_wait3A_328] : memref<1024x16xf32, #tpu.memory_space<vmem>> -> memref<128x16xf32, #tpu.memory_space<vmem>>
        %dma_wait3A_330 = arith.constant 0 : i32
        %dma_wait3A_331 = tpu.memref_slice %arg11[%dma_wait3A_326, %dma_wait3A_330] : memref<8x128xi32, #tpu.memory_space<vmem>> -> memref<1x128xi32, #tpu.memory_space<vmem>>
        %dma_wait3A_332 = tpu.memref_squeeze %dma_wait3A_331 : memref<1x128xi32, #tpu.memory_space<vmem>> -> memref<128xi32, #tpu.memory_space<vmem>>
        %dma_wait3A_333 = arith.constant 0 : i32
        %dma_wait3A_334 = arith.constant 0 : i32
        %dma_wait3A_335 = tpu.memref_slice %arg5[%dma_wait3A_333, %dma_wait3A_334] : memref<10240x16xf32, #tpu.memory_space<hbm>> -> memref<10240x16xf32, #tpu.memory_space<hbm>>
        tpu.wait_indirect_dma semaphore(%arg19 : memref<!tpu.dma_semaphore, #tpu.memory_space<semaphore_mem>>) src(%dma_wait3A_335 : memref<10240x16xf32, #tpu.memory_space<hbm>>) dst(%dma_wait3A_329 : memref<128x16xf32, #tpu.memory_space<vmem>>)
        %dma_wait3A_336 = arith.constant 5 : i32
        %dma_wait3A_337 = arith.constant 640 : i32
        %dma_wait3A_338 = arith.constant 0 : i32
        %dma_wait3A_339 = tpu.memref_slice %arg13[%dma_wait3A_337, %dma_wait3A_338] : memref<1024x16xf32, #tpu.memory_space<vmem>> -> memref<128x16xf32, #tpu.memory_space<vmem>>
        %dma_wait3A_340 = arith.constant 0 : i32
        %dma_wait3A_341 = tpu.memref_slice %arg11[%dma_wait3A_336, %dma_wait3A_340] : memref<8x128xi32, #tpu.memory_space<vmem>> -> memref<1x128xi32, #tpu.memory_space<vmem>>
        %dma_wait3A_342 = tpu.memref_squeeze %dma_wait3A_341 : memref<1x128xi32, #tpu.memory_space<vmem>> -> memref<128xi32, #tpu.memory_space<vmem>>
        %dma_wait3A_343 = arith.constant 0 : i32
        %dma_wait3A_344 = arith.constant 0 : i32
        %dma_wait3A_345 = tpu.memref_slice %arg5[%dma_wait3A_343, %dma_wait3A_344] : memref<10240x16xf32, #tpu.memory_space<hbm>> -> memref<10240x16xf32, #tpu.memory_space<hbm>>
        tpu.wait_indirect_dma semaphore(%arg19 : memref<!tpu.dma_semaphore, #tpu.memory_space<semaphore_mem>>) src(%dma_wait3A_345 : memref<10240x16xf32, #tpu.memory_space<hbm>>) dst(%dma_wait3A_339 : memref<128x16xf32, #tpu.memory_space<vmem>>)
        %dma_wait3A_346 = arith.constant 6 : i32
        %dma_wait3A_347 = arith.constant 768 : i32
        %dma_wait3A_348 = arith.constant 0 : i32
        %dma_wait3A_349 = tpu.memref_slice %arg13[%dma_wait3A_347, %dma_wait3A_348] : memref<1024x16xf32, #tpu.memory_space<vmem>> -> memref<128x16xf32, #tpu.memory_space<vmem>>
        %dma_wait3A_350 = arith.constant 0 : i32
        %dma_wait3A_351 = tpu.memref_slice %arg11[%dma_wait3A_346, %dma_wait3A_350] : memref<8x128xi32, #tpu.memory_space<vmem>> -> memref<1x128xi32, #tpu.memory_space<vmem>>
        %dma_wait3A_352 = tpu.memref_squeeze %dma_wait3A_351 : memref<1x128xi32, #tpu.memory_space<vmem>> -> memref<128xi32, #tpu.memory_space<vmem>>
        %dma_wait3A_353 = arith.constant 0 : i32
        %dma_wait3A_354 = arith.constant 0 : i32
        %dma_wait3A_355 = tpu.memref_slice %arg5[%dma_wait3A_353, %dma_wait3A_354] : memref<10240x16xf32, #tpu.memory_space<hbm>> -> memref<10240x16xf32, #tpu.memory_space<hbm>>
        tpu.wait_indirect_dma semaphore(%arg19 : memref<!tpu.dma_semaphore, #tpu.memory_space<semaphore_mem>>) src(%dma_wait3A_355 : memref<10240x16xf32, #tpu.memory_space<hbm>>) dst(%dma_wait3A_349 : memref<128x16xf32, #tpu.memory_space<vmem>>)
        %dma_wait3A_356 = arith.constant 7 : i32
        %dma_wait3A_357 = arith.constant 896 : i32
        %dma_wait3A_358 = arith.constant 0 : i32
        %dma_wait3A_359 = tpu.memref_slice %arg13[%dma_wait3A_357, %dma_wait3A_358] : memref<1024x16xf32, #tpu.memory_space<vmem>> -> memref<128x16xf32, #tpu.memory_space<vmem>>
        %dma_wait3A_360 = arith.constant 0 : i32
        %dma_wait3A_361 = tpu.memref_slice %arg11[%dma_wait3A_356, %dma_wait3A_360] : memref<8x128xi32, #tpu.memory_space<vmem>> -> memref<1x128xi32, #tpu.memory_space<vmem>>
        %dma_wait3A_362 = tpu.memref_squeeze %dma_wait3A_361 : memref<1x128xi32, #tpu.memory_space<vmem>> -> memref<128xi32, #tpu.memory_space<vmem>>
        %dma_wait3A_363 = arith.constant 0 : i32
        %dma_wait3A_364 = arith.constant 0 : i32
        %dma_wait3A_365 = tpu.memref_slice %arg5[%dma_wait3A_363, %dma_wait3A_364] : memref<10240x16xf32, #tpu.memory_space<hbm>> -> memref<10240x16xf32, #tpu.memory_space<hbm>>
        tpu.wait_indirect_dma semaphore(%arg19 : memref<!tpu.dma_semaphore, #tpu.memory_space<semaphore_mem>>) src(%dma_wait3A_365 : memref<10240x16xf32, #tpu.memory_space<hbm>>) dst(%dma_wait3A_359 : memref<128x16xf32, #tpu.memory_space<vmem>>)
        %parallel_loop3A = arith.constant 0 : i32
        %parallel_loop3A_366 = arith.constant 1024 : i32
        %parallel_loop3A_367 = arith.constant 1 : i32
        scf.for %parallel_loop3A_383 = %parallel_loop3A to %parallel_loop3A_366 step %parallel_loop3A_367  : i32 {
          %parallel_loop3A_384 = arith.index_cast %parallel_loop3A_383 : i32 to index
          %parallel_loop3A_385 = arith.constant 0 : index
          %parallel_loop3A_386 = tpu.vector_load %arg12[%parallel_loop3A_384, %parallel_loop3A_385] {strides = array<i32>} : memref<1024x16xf32, #tpu.memory_space<vmem>>, vector<16xf32>,
          %parallel_loop3A_387 = arith.index_cast %parallel_loop3A_383 : i32 to index
          %parallel_loop3A_388 = arith.constant 0 : index
          %parallel_loop3A_389 = tpu.vector_load %arg13[%parallel_loop3A_387, %parallel_loop3A_388] {strides = array<i32>} : memref<1024x16xf32, #tpu.memory_space<vmem>>, vector<16xf32>,
          %parallel_loop3A_390 = arith.addf %parallel_loop3A_386, %parallel_loop3A_389 : vector<16xf32>
          %parallel_loop3A_391 = arith.index_cast %parallel_loop3A_383 : i32 to index
          %parallel_loop3A_392 = arith.constant 0 : index
          %parallel_loop3A_393 = tpu.vector_load %arg14[%parallel_loop3A_391, %parallel_loop3A_392] {strides = array<i32>} : memref<1024x16xf32, #tpu.memory_space<vmem>>, vector<16xf32>,
          %parallel_loop3A_394 = arith.addf %parallel_loop3A_390, %parallel_loop3A_393 : vector<16xf32>
          %parallel_loop3A_395 = arith.constant 0.000000e+00 : f32
          %parallel_loop3A_396 = vector.broadcast %parallel_loop3A_395 : f32 to vector<16xf32>
          %parallel_loop3A_397 = arith.cmpf oge, %parallel_loop3A_394, %parallel_loop3A_396 : vector<16xf32>
          %parallel_loop3A_398 = arith.constant 2.000000e-01 : f32
          %parallel_loop3A_399 = vector.broadcast %parallel_loop3A_398 : f32 to vector<16xf32>
          %parallel_loop3A_400 = arith.mulf %parallel_loop3A_399, %parallel_loop3A_394 : vector<16xf32>
          %parallel_loop3A_401 = arith.select %parallel_loop3A_397, %parallel_loop3A_394, %parallel_loop3A_400 : vector<16xi1>, vector<16xf32>
          %parallel_loop3A_402 = math.exp %parallel_loop3A_401 : vector<16xf32>
          %parallel_loop3A_403 = vector.broadcast %parallel_loop3A_383 : i32 to vector<16xi32>
          %parallel_loop3A_404 = tpu.vector_load_idx %arg15[%parallel_loop3A_403] : memref<1024xf32, #tpu.memory_space<vmem>>[vector<16xi32>], vector<16xf32>,
          %parallel_loop3A_405 = arith.constant 12 : i32
          %parallel_loop3A_406 = vector.broadcast %parallel_loop3A_405 : i32 to vector<16xi32>
          %parallel_loop3A_407 = arith.cmpi slt, %iota3A, %parallel_loop3A_406 : vector<16xi32>
          %parallel_loop3A_408 = arith.constant 12 : i32
          %parallel_loop3A_409 = vector.broadcast %parallel_loop3A_408 : i32 to vector<16xi32>
          %parallel_loop3A_410 = arith.cmpi eq, %iota3A, %parallel_loop3A_409 : vector<16xi32>
          %parallel_loop3A_411 = arith.constant 0.000000e+00 : f32
          %parallel_loop3A_412 = vector.broadcast %parallel_loop3A_411 : f32 to vector<16xf32>
          %parallel_loop3A_413 = arith.select %parallel_loop3A_410, %parallel_loop3A_404, %parallel_loop3A_412 : vector<16xi1>, vector<16xf32>
          %parallel_loop3A_414 = arith.select %parallel_loop3A_407, %parallel_loop3A_402, %parallel_loop3A_413 : vector<16xi1>, vector<16xf32>
          %parallel_loop3A_415 = arith.addi %multiple_of3A_28, %parallel_loop3A_383 : i32
          %parallel_loop3A_416 = arith.constant 170000 : i32
          %parallel_loop3A_417 = arith.subi %parallel_loop3A_415, %parallel_loop3A_416 : i32
          %parallel_loop3A_418 = vector.broadcast %parallel_loop3A_417 : i32 to vector<16xi32>
          %parallel_loop3A_419 = arith.constant 0 : i32
          %parallel_loop3A_420 = vector.broadcast %parallel_loop3A_419 : i32 to vector<16xi32>
          %parallel_loop3A_421 = arith.cmpi slt, %parallel_loop3A_418, %parallel_loop3A_420 : vector<16xi32>
          %parallel_loop3A_422 = arith.constant 1.000000e+00 : f32
          %parallel_loop3A_423 = arith.constant 0.000000e+00 : f32
          %parallel_loop3A_424 = vector.broadcast %parallel_loop3A_422 : f32 to vector<16xf32>
          %parallel_loop3A_425 = vector.broadcast %parallel_loop3A_423 : f32 to vector<16xf32>
          %parallel_loop3A_426 = arith.select %parallel_loop3A_421, %parallel_loop3A_424, %parallel_loop3A_425 : vector<16xi1>, vector<16xf32>
          %parallel_loop3A_427 = arith.mulf %parallel_loop3A_414, %parallel_loop3A_426 : vector<16xf32>
          %parallel_loop3A_428 = arith.index_cast %parallel_loop3A_383 : i32 to index
          %parallel_loop3A_429 = arith.constant 0 : index
          %parallel_loop3A_430 = tpu.vector_load %arg16[%parallel_loop3A_428, %parallel_loop3A_429] {strides = array<i32>} : memref<1024x16xf32, #tpu.memory_space<vmem>>, vector<16xf32>,
          tpu.vector_store %arg16[%parallel_loop3A_428, %parallel_loop3A_429], %parallel_loop3A_427 {strides = array<i32>} : memref<1024x16xf32, #tpu.memory_space<vmem>>, vector<16xf32>,
        } {sc.loop_unroll_factor = 8 : i64, sc.parallel_access}
        %parallel_loop3A_368 = arith.constant 0 : i32
        %parallel_loop3A_369 = arith.constant 768 : i32
        %parallel_loop3A_370 = arith.constant 1 : i32
        scf.for %parallel_loop3A_383 = %parallel_loop3A_368 to %parallel_loop3A_369 step %parallel_loop3A_370  : i32 {
          %parallel_loop3A_384 = arith.constant 64 : i32
          %parallel_loop3A_385 = arith.divsi %parallel_loop3A_383, %parallel_loop3A_384 : i32
          %parallel_loop3A_386 = arith.constant 0 : i32
          %parallel_loop3A_387 = arith.cmpi sgt, %parallel_loop3A_383, %parallel_loop3A_386 : i32
          %parallel_loop3A_388 = arith.extui %parallel_loop3A_387 : i1 to i32
          %parallel_loop3A_389 = arith.constant 0 : i32
          %parallel_loop3A_390 = arith.cmpi slt, %parallel_loop3A_383, %parallel_loop3A_389 : i32
          %parallel_loop3A_391 = arith.extui %parallel_loop3A_390 : i1 to i32
          %parallel_loop3A_392 = arith.subi %parallel_loop3A_388, %parallel_loop3A_391 : i32
          %parallel_loop3A_393 = arith.constant 0 : i32
          %parallel_loop3A_394 = arith.cmpi sgt, %parallel_loop3A_384, %parallel_loop3A_393 : i32
          %parallel_loop3A_395 = arith.extui %parallel_loop3A_394 : i1 to i32
          %parallel_loop3A_396 = arith.constant 0 : i32
          %parallel_loop3A_397 = arith.cmpi slt, %parallel_loop3A_384, %parallel_loop3A_396 : i32
          %parallel_loop3A_398 = arith.extui %parallel_loop3A_397 : i1 to i32
          %parallel_loop3A_399 = arith.subi %parallel_loop3A_395, %parallel_loop3A_398 : i32
          %parallel_loop3A_400 = arith.cmpi ne, %parallel_loop3A_392, %parallel_loop3A_399 : i32
          %parallel_loop3A_401 = arith.remsi %parallel_loop3A_383, %parallel_loop3A_384 : i32
          %parallel_loop3A_402 = arith.constant 0 : i32
          %parallel_loop3A_403 = arith.cmpi ne, %parallel_loop3A_401, %parallel_loop3A_402 : i32
          %parallel_loop3A_404 = arith.andi %parallel_loop3A_400, %parallel_loop3A_403 : i1
          %parallel_loop3A_405 = arith.constant 1 : i32
          %parallel_loop3A_406 = arith.subi %parallel_loop3A_385, %parallel_loop3A_405 : i32
          %parallel_loop3A_407 = arith.select %parallel_loop3A_404, %parallel_loop3A_406, %parallel_loop3A_385 : i32
          %parallel_loop3A_408 = arith.constant 64 : i32
          %parallel_loop3A_409 = arith.constant 0 : i32
          %parallel_loop3A_410 = arith.cmpi eq, %parallel_loop3A_408, %parallel_loop3A_409 : i32
          %parallel_loop3A_411 = arith.constant 1 : i32
          %parallel_loop3A_412 = arith.select %parallel_loop3A_410, %parallel_loop3A_411, %parallel_loop3A_408 : i32
          %parallel_loop3A_413 = arith.remsi %parallel_loop3A_383, %parallel_loop3A_412 : i32
          %parallel_loop3A_414 = arith.constant 0 : i32
          %parallel_loop3A_415 = arith.cmpi ne, %parallel_loop3A_413, %parallel_loop3A_414 : i32
          %parallel_loop3A_416 = arith.constant 0 : i32
          %parallel_loop3A_417 = arith.cmpi slt, %parallel_loop3A_413, %parallel_loop3A_416 : i32
          %parallel_loop3A_418 = arith.constant 0 : i32
          %parallel_loop3A_419 = arith.cmpi slt, %parallel_loop3A_412, %parallel_loop3A_418 : i32
          %parallel_loop3A_420 = arith.xori %parallel_loop3A_417, %parallel_loop3A_419 : i1
          %parallel_loop3A_421 = arith.andi %parallel_loop3A_420, %parallel_loop3A_415 : i1
          %parallel_loop3A_422 = arith.addi %parallel_loop3A_413, %parallel_loop3A_412 : i32
          %parallel_loop3A_423 = arith.select %parallel_loop3A_421, %parallel_loop3A_422, %parallel_loop3A_413 : i32
          %parallel_loop3A_424 = arith.constant 16 : i32
          %parallel_loop3A_425 = arith.muli %parallel_loop3A_423, %parallel_loop3A_424 : i32
          %parallel_loop3A_426 = vector.broadcast %parallel_loop3A_425 : i32 to vector<16xi32>
          %parallel_loop3A_427 = arith.addi %iota3A, %parallel_loop3A_426 : vector<16xi32>
          %parallel_loop3A_428 = vector.broadcast %parallel_loop3A_407 : i32 to vector<16xi32>
          %parallel_loop3A_429 = tpu.vector_load_idx %arg16[%parallel_loop3A_427, %parallel_loop3A_428] : memref<1024x16xf32, #tpu.memory_space<vmem>>[vector<16xi32>, vector<16xi32>], vector<16xf32>,
          %parallel_loop3A_430 = arith.constant 16 : i32
          %parallel_loop3A_431 = arith.muli %parallel_loop3A_423, %parallel_loop3A_430 : i32
          %parallel_loop3A_432 = arith.index_cast %parallel_loop3A_407 : i32 to index
          %parallel_loop3A_433 = arith.index_cast %parallel_loop3A_431 : i32 to index
          %parallel_loop3A_434 = tpu.vector_load %arg17[%parallel_loop3A_432, %parallel_loop3A_433] {strides = array<i32>} : memref<12x1024xf32, #tpu.memory_space<vmem>>, vector<16xf32>,
          tpu.vector_store %arg17[%parallel_loop3A_432, %parallel_loop3A_433], %parallel_loop3A_429 {strides = array<i32>} : memref<12x1024xf32, #tpu.memory_space<vmem>>, vector<16xf32>,
        } {sc.loop_unroll_factor = 8 : i64, sc.parallel_access}
        %scan3A_371 = arith.constant 0 : i32
        %scan3A_372 = arith.constant 12 : i32
        %scan3A_373 = arith.addi %scan3A_371, %scan3A_372 : i32
        %scan3A_374 = arith.constant 1 : i32
        scf.for %scan3A_383 = %scan3A_371 to %scan3A_373 step %scan3A_374  : i32 {
          %mul3A_384 = arith.constant 196608 : i32
          %mul3A_385 = arith.muli %scan3A_383, %mul3A_384 : i32
          %add3A_386 = arith.addi %mul3A_385, %multiple_of3A_28 : i32
          %multiple_of3A_387 = tpu.assume_multiple %add3A_386, 1024 : i32
          "tpu.region"() ({
            %run_scoped3A_388 = tpu.sem_alloc : memref<!tpu.dma_semaphore, #tpu.memory_space<semaphore_mem>>
            %dma_start3A_389 = arith.constant 0 : i32
            %dma_start3A_390 = tpu.memref_slice %arg17[%scan3A_383, %dma_start3A_389] : memref<12x1024xf32, #tpu.memory_space<vmem>> -> memref<1x1024xf32, #tpu.memory_space<vmem>>
            %dma_start3A_391 = tpu.memref_squeeze %dma_start3A_390 : memref<1x1024xf32, #tpu.memory_space<vmem>> -> memref<1024xf32, #tpu.memory_space<vmem>>
            %dma_start3A_392 = tpu.memref_slice %arg8[%multiple_of3A_387] : memref<2359296xf32, #tpu.memory_space<hbm>> -> memref<1024xf32, #tpu.memory_space<hbm>>
            %dma_start3A_393 = tpu.memref_slice %arg8[%multiple_of3A_387] : memref<2359296xf32, #tpu.memory_space<hbm>> -> memref<1024xf32, #tpu.memory_space<hbm>>
            %dma_start3A_394 = arith.constant 0 : i32
            %dma_start3A_395 = tpu.memref_slice %arg17[%scan3A_383, %dma_start3A_394] : memref<12x1024xf32, #tpu.memory_space<vmem>> -> memref<1x1024xf32, #tpu.memory_space<vmem>>
            %dma_start3A_396 = tpu.memref_squeeze %dma_start3A_395 : memref<1x1024xf32, #tpu.memory_space<vmem>> -> memref<1024xf32, #tpu.memory_space<vmem>>
            tpu.enqueue_dma source(%dma_start3A_396 : memref<1024xf32, #tpu.memory_space<vmem>>) target(%dma_start3A_393 : memref<1024xf32, #tpu.memory_space<hbm>>) target_semaphore(%run_scoped3A_388 : memref<!tpu.dma_semaphore, #tpu.memory_space<semaphore_mem>>)
            %dma_wait3A_397 = arith.constant 0 : i32
            %dma_wait3A_398 = tpu.memref_slice %arg17[%scan3A_383, %dma_wait3A_397] : memref<12x1024xf32, #tpu.memory_space<vmem>> -> memref<1x1024xf32, #tpu.memory_space<vmem>>
            %dma_wait3A_399 = tpu.memref_squeeze %dma_wait3A_398 : memref<1x1024xf32, #tpu.memory_space<vmem>> -> memref<1024xf32, #tpu.memory_space<vmem>>
            %dma_wait3A_400 = tpu.memref_slice %arg8[%multiple_of3A_387] : memref<2359296xf32, #tpu.memory_space<hbm>> -> memref<1024xf32, #tpu.memory_space<hbm>>
            %dma_wait3A_401 = tpu.memref_slice %arg8[%multiple_of3A_387] : memref<2359296xf32, #tpu.memory_space<hbm>> -> memref<1024xf32, #tpu.memory_space<hbm>>
            %dma_wait3A_402 = arith.constant 0 : i32
            %dma_wait3A_403 = tpu.memref_slice %arg17[%scan3A_383, %dma_wait3A_402] : memref<12x1024xf32, #tpu.memory_space<vmem>> -> memref<1x1024xf32, #tpu.memory_space<vmem>>
            %dma_wait3A_404 = tpu.memref_squeeze %dma_wait3A_403 : memref<1x1024xf32, #tpu.memory_space<vmem>> -> memref<1024xf32, #tpu.memory_space<vmem>>
            tpu.wait_dma2 semaphore(%run_scoped3A_388 : memref<!tpu.dma_semaphore, #tpu.memory_space<semaphore_mem>>) src(%dma_wait3A_404 : memref<1024xf32, #tpu.memory_space<vmem>>) dst(%dma_wait3A_401 : memref<1024xf32, #tpu.memory_space<hbm>>)
            tpu.yield
          }) : () -> ()
        }
        %scan3A_375 = arith.constant 12 : i32
        %run_scoped3A = arith.constant 0 : i32
        "tpu.region"() ({
          %run_scoped3A_383 = tpu.sem_alloc : memref<!tpu.dma_semaphore, #tpu.memory_space<semaphore_mem>>
          %dma_start3A_384 = arith.constant 0 : i32
          %dma_start3A_385 = arith.constant 0 : i32
          %dma_start3A_386 = tpu.memref_slice %arg16[%dma_start3A_384, %dma_start3A_385] : memref<1024x16xf32, #tpu.memory_space<vmem>> -> memref<128x16xf32, #tpu.memory_space<vmem>>
          %dma_start3A_387 = arith.constant 0 : i32
          %dma_start3A_388 = tpu.memref_slice %arg11[%run_scoped3A, %dma_start3A_387] : memref<8x128xi32, #tpu.memory_space<vmem>> -> memref<1x128xi32, #tpu.memory_space<vmem>>
          %dma_start3A_389 = tpu.memref_squeeze %dma_start3A_388 : memref<1x128xi32, #tpu.memory_space<vmem>> -> memref<128xi32, #tpu.memory_space<vmem>>
          %dma_start3A_390 = arith.constant 0 : i32
          %dma_start3A_391 = arith.constant 0 : i32
          %dma_start3A_392 = tpu.memref_slice %arg18[%dma_start3A_390, %dma_start3A_391] : memref<10240x16xf32, #tpu.memory_space<vmem_shared>> -> memref<10240x16xf32, #tpu.memory_space<vmem_shared>>
          tpu.enqueue_indirect_dma source(%dma_start3A_386 : memref<128x16xf32, #tpu.memory_space<vmem>>) target(%dma_start3A_392 : memref<10240x16xf32, #tpu.memory_space<vmem_shared>>) offsets(%dma_start3A_389 : memref<128xi32, #tpu.memory_space<vmem>>) semaphore(%run_scoped3A_383 : memref<!tpu.dma_semaphore, #tpu.memory_space<semaphore_mem>>) {add = true}
          %dma_wait3A_393 = arith.constant 0 : i32
          %dma_wait3A_394 = arith.constant 0 : i32
          %dma_wait3A_395 = tpu.memref_slice %arg16[%dma_wait3A_393, %dma_wait3A_394] : memref<1024x16xf32, #tpu.memory_space<vmem>> -> memref<128x16xf32, #tpu.memory_space<vmem>>
          %dma_wait3A_396 = arith.constant 0 : i32
          %dma_wait3A_397 = tpu.memref_slice %arg11[%run_scoped3A, %dma_wait3A_396] : memref<8x128xi32, #tpu.memory_space<vmem>> -> memref<1x128xi32, #tpu.memory_space<vmem>>
          %dma_wait3A_398 = tpu.memref_squeeze %dma_wait3A_397 : memref<1x128xi32, #tpu.memory_space<vmem>> -> memref<128xi32, #tpu.memory_space<vmem>>
          %dma_wait3A_399 = arith.constant 0 : i32
          %dma_wait3A_400 = arith.constant 0 : i32
          %dma_wait3A_401 = tpu.memref_slice %arg18[%dma_wait3A_399, %dma_wait3A_400] : memref<10240x16xf32, #tpu.memory_space<vmem_shared>> -> memref<10240x16xf32, #tpu.memory_space<vmem_shared>>
          tpu.wait_indirect_dma semaphore(%run_scoped3A_383 : memref<!tpu.dma_semaphore, #tpu.memory_space<semaphore_mem>>) src(%dma_wait3A_395 : memref<128x16xf32, #tpu.memory_space<vmem>>) dst(%dma_wait3A_401 : memref<10240x16xf32, #tpu.memory_space<vmem_shared>>)
          tpu.yield
        }) : () -> ()
        %run_scoped3A_376 = arith.constant 1 : i32
        "tpu.region"() ({
          %run_scoped3A_383 = tpu.sem_alloc : memref<!tpu.dma_semaphore, #tpu.memory_space<semaphore_mem>>
          %dma_start3A_384 = arith.constant 128 : i32
          %dma_start3A_385 = arith.constant 0 : i32
          %dma_start3A_386 = tpu.memref_slice %arg16[%dma_start3A_384, %dma_start3A_385] : memref<1024x16xf32, #tpu.memory_space<vmem>> -> memref<128x16xf32, #tpu.memory_space<vmem>>
          %dma_start3A_387 = arith.constant 0 : i32
          %dma_start3A_388 = tpu.memref_slice %arg11[%run_scoped3A_376, %dma_start3A_387] : memref<8x128xi32, #tpu.memory_space<vmem>> -> memref<1x128xi32, #tpu.memory_space<vmem>>
          %dma_start3A_389 = tpu.memref_squeeze %dma_start3A_388 : memref<1x128xi32, #tpu.memory_space<vmem>> -> memref<128xi32, #tpu.memory_space<vmem>>
          %dma_start3A_390 = arith.constant 0 : i32
          %dma_start3A_391 = arith.constant 0 : i32
          %dma_start3A_392 = tpu.memref_slice %arg18[%dma_start3A_390, %dma_start3A_391] : memref<10240x16xf32, #tpu.memory_space<vmem_shared>> -> memref<10240x16xf32, #tpu.memory_space<vmem_shared>>
          tpu.enqueue_indirect_dma source(%dma_start3A_386 : memref<128x16xf32, #tpu.memory_space<vmem>>) target(%dma_start3A_392 : memref<10240x16xf32, #tpu.memory_space<vmem_shared>>) offsets(%dma_start3A_389 : memref<128xi32, #tpu.memory_space<vmem>>) semaphore(%run_scoped3A_383 : memref<!tpu.dma_semaphore, #tpu.memory_space<semaphore_mem>>) {add = true}
          %dma_wait3A_393 = arith.constant 128 : i32
          %dma_wait3A_394 = arith.constant 0 : i32
          %dma_wait3A_395 = tpu.memref_slice %arg16[%dma_wait3A_393, %dma_wait3A_394] : memref<1024x16xf32, #tpu.memory_space<vmem>> -> memref<128x16xf32, #tpu.memory_space<vmem>>
          %dma_wait3A_396 = arith.constant 0 : i32
          %dma_wait3A_397 = tpu.memref_slice %arg11[%run_scoped3A_376, %dma_wait3A_396] : memref<8x128xi32, #tpu.memory_space<vmem>> -> memref<1x128xi32, #tpu.memory_space<vmem>>
          %dma_wait3A_398 = tpu.memref_squeeze %dma_wait3A_397 : memref<1x128xi32, #tpu.memory_space<vmem>> -> memref<128xi32, #tpu.memory_space<vmem>>
          %dma_wait3A_399 = arith.constant 0 : i32
          %dma_wait3A_400 = arith.constant 0 : i32
          %dma_wait3A_401 = tpu.memref_slice %arg18[%dma_wait3A_399, %dma_wait3A_400] : memref<10240x16xf32, #tpu.memory_space<vmem_shared>> -> memref<10240x16xf32, #tpu.memory_space<vmem_shared>>
          tpu.wait_indirect_dma semaphore(%run_scoped3A_383 : memref<!tpu.dma_semaphore, #tpu.memory_space<semaphore_mem>>) src(%dma_wait3A_395 : memref<128x16xf32, #tpu.memory_space<vmem>>) dst(%dma_wait3A_401 : memref<10240x16xf32, #tpu.memory_space<vmem_shared>>)
          tpu.yield
        }) : () -> ()
        %run_scoped3A_377 = arith.constant 2 : i32
        "tpu.region"() ({
          %run_scoped3A_383 = tpu.sem_alloc : memref<!tpu.dma_semaphore, #tpu.memory_space<semaphore_mem>>
          %dma_start3A_384 = arith.constant 256 : i32
          %dma_start3A_385 = arith.constant 0 : i32
          %dma_start3A_386 = tpu.memref_slice %arg16[%dma_start3A_384, %dma_start3A_385] : memref<1024x16xf32, #tpu.memory_space<vmem>> -> memref<128x16xf32, #tpu.memory_space<vmem>>
          %dma_start3A_387 = arith.constant 0 : i32
          %dma_start3A_388 = tpu.memref_slice %arg11[%run_scoped3A_377, %dma_start3A_387] : memref<8x128xi32, #tpu.memory_space<vmem>> -> memref<1x128xi32, #tpu.memory_space<vmem>>
          %dma_start3A_389 = tpu.memref_squeeze %dma_start3A_388 : memref<1x128xi32, #tpu.memory_space<vmem>> -> memref<128xi32, #tpu.memory_space<vmem>>
          %dma_start3A_390 = arith.constant 0 : i32
          %dma_start3A_391 = arith.constant 0 : i32
          %dma_start3A_392 = tpu.memref_slice %arg18[%dma_start3A_390, %dma_start3A_391] : memref<10240x16xf32, #tpu.memory_space<vmem_shared>> -> memref<10240x16xf32, #tpu.memory_space<vmem_shared>>
          tpu.enqueue_indirect_dma source(%dma_start3A_386 : memref<128x16xf32, #tpu.memory_space<vmem>>) target(%dma_start3A_392 : memref<10240x16xf32, #tpu.memory_space<vmem_shared>>) offsets(%dma_start3A_389 : memref<128xi32, #tpu.memory_space<vmem>>) semaphore(%run_scoped3A_383 : memref<!tpu.dma_semaphore, #tpu.memory_space<semaphore_mem>>) {add = true}
          %dma_wait3A_393 = arith.constant 256 : i32
          %dma_wait3A_394 = arith.constant 0 : i32
          %dma_wait3A_395 = tpu.memref_slice %arg16[%dma_wait3A_393, %dma_wait3A_394] : memref<1024x16xf32, #tpu.memory_space<vmem>> -> memref<128x16xf32, #tpu.memory_space<vmem>>
          %dma_wait3A_396 = arith.constant 0 : i32
          %dma_wait3A_397 = tpu.memref_slice %arg11[%run_scoped3A_377, %dma_wait3A_396] : memref<8x128xi32, #tpu.memory_space<vmem>> -> memref<1x128xi32, #tpu.memory_space<vmem>>
          %dma_wait3A_398 = tpu.memref_squeeze %dma_wait3A_397 : memref<1x128xi32, #tpu.memory_space<vmem>> -> memref<128xi32, #tpu.memory_space<vmem>>
          %dma_wait3A_399 = arith.constant 0 : i32
          %dma_wait3A_400 = arith.constant 0 : i32
          %dma_wait3A_401 = tpu.memref_slice %arg18[%dma_wait3A_399, %dma_wait3A_400] : memref<10240x16xf32, #tpu.memory_space<vmem_shared>> -> memref<10240x16xf32, #tpu.memory_space<vmem_shared>>
          tpu.wait_indirect_dma semaphore(%run_scoped3A_383 : memref<!tpu.dma_semaphore, #tpu.memory_space<semaphore_mem>>) src(%dma_wait3A_395 : memref<128x16xf32, #tpu.memory_space<vmem>>) dst(%dma_wait3A_401 : memref<10240x16xf32, #tpu.memory_space<vmem_shared>>)
          tpu.yield
        }) : () -> ()
        %run_scoped3A_378 = arith.constant 3 : i32
        "tpu.region"() ({
          %run_scoped3A_383 = tpu.sem_alloc : memref<!tpu.dma_semaphore, #tpu.memory_space<semaphore_mem>>
          %dma_start3A_384 = arith.constant 384 : i32
          %dma_start3A_385 = arith.constant 0 : i32
          %dma_start3A_386 = tpu.memref_slice %arg16[%dma_start3A_384, %dma_start3A_385] : memref<1024x16xf32, #tpu.memory_space<vmem>> -> memref<128x16xf32, #tpu.memory_space<vmem>>
          %dma_start3A_387 = arith.constant 0 : i32
          %dma_start3A_388 = tpu.memref_slice %arg11[%run_scoped3A_378, %dma_start3A_387] : memref<8x128xi32, #tpu.memory_space<vmem>> -> memref<1x128xi32, #tpu.memory_space<vmem>>
          %dma_start3A_389 = tpu.memref_squeeze %dma_start3A_388 : memref<1x128xi32, #tpu.memory_space<vmem>> -> memref<128xi32, #tpu.memory_space<vmem>>
          %dma_start3A_390 = arith.constant 0 : i32
          %dma_start3A_391 = arith.constant 0 : i32
          %dma_start3A_392 = tpu.memref_slice %arg18[%dma_start3A_390, %dma_start3A_391] : memref<10240x16xf32, #tpu.memory_space<vmem_shared>> -> memref<10240x16xf32, #tpu.memory_space<vmem_shared>>
          tpu.enqueue_indirect_dma source(%dma_start3A_386 : memref<128x16xf32, #tpu.memory_space<vmem>>) target(%dma_start3A_392 : memref<10240x16xf32, #tpu.memory_space<vmem_shared>>) offsets(%dma_start3A_389 : memref<128xi32, #tpu.memory_space<vmem>>) semaphore(%run_scoped3A_383 : memref<!tpu.dma_semaphore, #tpu.memory_space<semaphore_mem>>) {add = true}
          %dma_wait3A_393 = arith.constant 384 : i32
          %dma_wait3A_394 = arith.constant 0 : i32
          %dma_wait3A_395 = tpu.memref_slice %arg16[%dma_wait3A_393, %dma_wait3A_394] : memref<1024x16xf32, #tpu.memory_space<vmem>> -> memref<128x16xf32, #tpu.memory_space<vmem>>
          %dma_wait3A_396 = arith.constant 0 : i32
          %dma_wait3A_397 = tpu.memref_slice %arg11[%run_scoped3A_378, %dma_wait3A_396] : memref<8x128xi32, #tpu.memory_space<vmem>> -> memref<1x128xi32, #tpu.memory_space<vmem>>
          %dma_wait3A_398 = tpu.memref_squeeze %dma_wait3A_397 : memref<1x128xi32, #tpu.memory_space<vmem>> -> memref<128xi32, #tpu.memory_space<vmem>>
          %dma_wait3A_399 = arith.constant 0 : i32
          %dma_wait3A_400 = arith.constant 0 : i32
          %dma_wait3A_401 = tpu.memref_slice %arg18[%dma_wait3A_399, %dma_wait3A_400] : memref<10240x16xf32, #tpu.memory_space<vmem_shared>> -> memref<10240x16xf32, #tpu.memory_space<vmem_shared>>
          tpu.wait_indirect_dma semaphore(%run_scoped3A_383 : memref<!tpu.dma_semaphore, #tpu.memory_space<semaphore_mem>>) src(%dma_wait3A_395 : memref<128x16xf32, #tpu.memory_space<vmem>>) dst(%dma_wait3A_401 : memref<10240x16xf32, #tpu.memory_space<vmem_shared>>)
          tpu.yield
        }) : () -> ()
        %run_scoped3A_379 = arith.constant 4 : i32
        "tpu.region"() ({
          %run_scoped3A_383 = tpu.sem_alloc : memref<!tpu.dma_semaphore, #tpu.memory_space<semaphore_mem>>
          %dma_start3A_384 = arith.constant 512 : i32
          %dma_start3A_385 = arith.constant 0 : i32
          %dma_start3A_386 = tpu.memref_slice %arg16[%dma_start3A_384, %dma_start3A_385] : memref<1024x16xf32, #tpu.memory_space<vmem>> -> memref<128x16xf32, #tpu.memory_space<vmem>>
          %dma_start3A_387 = arith.constant 0 : i32
          %dma_start3A_388 = tpu.memref_slice %arg11[%run_scoped3A_379, %dma_start3A_387] : memref<8x128xi32, #tpu.memory_space<vmem>> -> memref<1x128xi32, #tpu.memory_space<vmem>>
          %dma_start3A_389 = tpu.memref_squeeze %dma_start3A_388 : memref<1x128xi32, #tpu.memory_space<vmem>> -> memref<128xi32, #tpu.memory_space<vmem>>
          %dma_start3A_390 = arith.constant 0 : i32
          %dma_start3A_391 = arith.constant 0 : i32
          %dma_start3A_392 = tpu.memref_slice %arg18[%dma_start3A_390, %dma_start3A_391] : memref<10240x16xf32, #tpu.memory_space<vmem_shared>> -> memref<10240x16xf32, #tpu.memory_space<vmem_shared>>
          tpu.enqueue_indirect_dma source(%dma_start3A_386 : memref<128x16xf32, #tpu.memory_space<vmem>>) target(%dma_start3A_392 : memref<10240x16xf32, #tpu.memory_space<vmem_shared>>) offsets(%dma_start3A_389 : memref<128xi32, #tpu.memory_space<vmem>>) semaphore(%run_scoped3A_383 : memref<!tpu.dma_semaphore, #tpu.memory_space<semaphore_mem>>) {add = true}
          %dma_wait3A_393 = arith.constant 512 : i32
          %dma_wait3A_394 = arith.constant 0 : i32
          %dma_wait3A_395 = tpu.memref_slice %arg16[%dma_wait3A_393, %dma_wait3A_394] : memref<1024x16xf32, #tpu.memory_space<vmem>> -> memref<128x16xf32, #tpu.memory_space<vmem>>
          %dma_wait3A_396 = arith.constant 0 : i32
          %dma_wait3A_397 = tpu.memref_slice %arg11[%run_scoped3A_379, %dma_wait3A_396] : memref<8x128xi32, #tpu.memory_space<vmem>> -> memref<1x128xi32, #tpu.memory_space<vmem>>
          %dma_wait3A_398 = tpu.memref_squeeze %dma_wait3A_397 : memref<1x128xi32, #tpu.memory_space<vmem>> -> memref<128xi32, #tpu.memory_space<vmem>>
          %dma_wait3A_399 = arith.constant 0 : i32
          %dma_wait3A_400 = arith.constant 0 : i32
          %dma_wait3A_401 = tpu.memref_slice %arg18[%dma_wait3A_399, %dma_wait3A_400] : memref<10240x16xf32, #tpu.memory_space<vmem_shared>> -> memref<10240x16xf32, #tpu.memory_space<vmem_shared>>
          tpu.wait_indirect_dma semaphore(%run_scoped3A_383 : memref<!tpu.dma_semaphore, #tpu.memory_space<semaphore_mem>>) src(%dma_wait3A_395 : memref<128x16xf32, #tpu.memory_space<vmem>>) dst(%dma_wait3A_401 : memref<10240x16xf32, #tpu.memory_space<vmem_shared>>)
          tpu.yield
        }) : () -> ()
        %run_scoped3A_380 = arith.constant 5 : i32
        "tpu.region"() ({
          %run_scoped3A_383 = tpu.sem_alloc : memref<!tpu.dma_semaphore, #tpu.memory_space<semaphore_mem>>
          %dma_start3A_384 = arith.constant 640 : i32
          %dma_start3A_385 = arith.constant 0 : i32
          %dma_start3A_386 = tpu.memref_slice %arg16[%dma_start3A_384, %dma_start3A_385] : memref<1024x16xf32, #tpu.memory_space<vmem>> -> memref<128x16xf32, #tpu.memory_space<vmem>>
          %dma_start3A_387 = arith.constant 0 : i32
          %dma_start3A_388 = tpu.memref_slice %arg11[%run_scoped3A_380, %dma_start3A_387] : memref<8x128xi32, #tpu.memory_space<vmem>> -> memref<1x128xi32, #tpu.memory_space<vmem>>
          %dma_start3A_389 = tpu.memref_squeeze %dma_start3A_388 : memref<1x128xi32, #tpu.memory_space<vmem>> -> memref<128xi32, #tpu.memory_space<vmem>>
          %dma_start3A_390 = arith.constant 0 : i32
          %dma_start3A_391 = arith.constant 0 : i32
          %dma_start3A_392 = tpu.memref_slice %arg18[%dma_start3A_390, %dma_start3A_391] : memref<10240x16xf32, #tpu.memory_space<vmem_shared>> -> memref<10240x16xf32, #tpu.memory_space<vmem_shared>>
          tpu.enqueue_indirect_dma source(%dma_start3A_386 : memref<128x16xf32, #tpu.memory_space<vmem>>) target(%dma_start3A_392 : memref<10240x16xf32, #tpu.memory_space<vmem_shared>>) offsets(%dma_start3A_389 : memref<128xi32, #tpu.memory_space<vmem>>) semaphore(%run_scoped3A_383 : memref<!tpu.dma_semaphore, #tpu.memory_space<semaphore_mem>>) {add = true}
          %dma_wait3A_393 = arith.constant 640 : i32
          %dma_wait3A_394 = arith.constant 0 : i32
          %dma_wait3A_395 = tpu.memref_slice %arg16[%dma_wait3A_393, %dma_wait3A_394] : memref<1024x16xf32, #tpu.memory_space<vmem>> -> memref<128x16xf32, #tpu.memory_space<vmem>>
          %dma_wait3A_396 = arith.constant 0 : i32
          %dma_wait3A_397 = tpu.memref_slice %arg11[%run_scoped3A_380, %dma_wait3A_396] : memref<8x128xi32, #tpu.memory_space<vmem>> -> memref<1x128xi32, #tpu.memory_space<vmem>>
          %dma_wait3A_398 = tpu.memref_squeeze %dma_wait3A_397 : memref<1x128xi32, #tpu.memory_space<vmem>> -> memref<128xi32, #tpu.memory_space<vmem>>
          %dma_wait3A_399 = arith.constant 0 : i32
          %dma_wait3A_400 = arith.constant 0 : i32
          %dma_wait3A_401 = tpu.memref_slice %arg18[%dma_wait3A_399, %dma_wait3A_400] : memref<10240x16xf32, #tpu.memory_space<vmem_shared>> -> memref<10240x16xf32, #tpu.memory_space<vmem_shared>>
          tpu.wait_indirect_dma semaphore(%run_scoped3A_383 : memref<!tpu.dma_semaphore, #tpu.memory_space<semaphore_mem>>) src(%dma_wait3A_395 : memref<128x16xf32, #tpu.memory_space<vmem>>) dst(%dma_wait3A_401 : memref<10240x16xf32, #tpu.memory_space<vmem_shared>>)
          tpu.yield
        }) : () -> ()
        %run_scoped3A_381 = arith.constant 6 : i32
        "tpu.region"() ({
          %run_scoped3A_383 = tpu.sem_alloc : memref<!tpu.dma_semaphore, #tpu.memory_space<semaphore_mem>>
          %dma_start3A_384 = arith.constant 768 : i32
          %dma_start3A_385 = arith.constant 0 : i32
          %dma_start3A_386 = tpu.memref_slice %arg16[%dma_start3A_384, %dma_start3A_385] : memref<1024x16xf32, #tpu.memory_space<vmem>> -> memref<128x16xf32, #tpu.memory_space<vmem>>
          %dma_start3A_387 = arith.constant 0 : i32
          %dma_start3A_388 = tpu.memref_slice %arg11[%run_scoped3A_381, %dma_start3A_387] : memref<8x128xi32, #tpu.memory_space<vmem>> -> memref<1x128xi32, #tpu.memory_space<vmem>>
          %dma_start3A_389 = tpu.memref_squeeze %dma_start3A_388 : memref<1x128xi32, #tpu.memory_space<vmem>> -> memref<128xi32, #tpu.memory_space<vmem>>
          %dma_start3A_390 = arith.constant 0 : i32
          %dma_start3A_391 = arith.constant 0 : i32
          %dma_start3A_392 = tpu.memref_slice %arg18[%dma_start3A_390, %dma_start3A_391] : memref<10240x16xf32, #tpu.memory_space<vmem_shared>> -> memref<10240x16xf32, #tpu.memory_space<vmem_shared>>
          tpu.enqueue_indirect_dma source(%dma_start3A_386 : memref<128x16xf32, #tpu.memory_space<vmem>>) target(%dma_start3A_392 : memref<10240x16xf32, #tpu.memory_space<vmem_shared>>) offsets(%dma_start3A_389 : memref<128xi32, #tpu.memory_space<vmem>>) semaphore(%run_scoped3A_383 : memref<!tpu.dma_semaphore, #tpu.memory_space<semaphore_mem>>) {add = true}
          %dma_wait3A_393 = arith.constant 768 : i32
          %dma_wait3A_394 = arith.constant 0 : i32
          %dma_wait3A_395 = tpu.memref_slice %arg16[%dma_wait3A_393, %dma_wait3A_394] : memref<1024x16xf32, #tpu.memory_space<vmem>> -> memref<128x16xf32, #tpu.memory_space<vmem>>
          %dma_wait3A_396 = arith.constant 0 : i32
          %dma_wait3A_397 = tpu.memref_slice %arg11[%run_scoped3A_381, %dma_wait3A_396] : memref<8x128xi32, #tpu.memory_space<vmem>> -> memref<1x128xi32, #tpu.memory_space<vmem>>
          %dma_wait3A_398 = tpu.memref_squeeze %dma_wait3A_397 : memref<1x128xi32, #tpu.memory_space<vmem>> -> memref<128xi32, #tpu.memory_space<vmem>>
          %dma_wait3A_399 = arith.constant 0 : i32
          %dma_wait3A_400 = arith.constant 0 : i32
          %dma_wait3A_401 = tpu.memref_slice %arg18[%dma_wait3A_399, %dma_wait3A_400] : memref<10240x16xf32, #tpu.memory_space<vmem_shared>> -> memref<10240x16xf32, #tpu.memory_space<vmem_shared>>
          tpu.wait_indirect_dma semaphore(%run_scoped3A_383 : memref<!tpu.dma_semaphore, #tpu.memory_space<semaphore_mem>>) src(%dma_wait3A_395 : memref<128x16xf32, #tpu.memory_space<vmem>>) dst(%dma_wait3A_401 : memref<10240x16xf32, #tpu.memory_space<vmem_shared>>)
          tpu.yield
        }) : () -> ()
        %run_scoped3A_382 = arith.constant 7 : i32
        "tpu.region"() ({
          %run_scoped3A_383 = tpu.sem_alloc : memref<!tpu.dma_semaphore, #tpu.memory_space<semaphore_mem>>
          %dma_start3A_384 = arith.constant 896 : i32
          %dma_start3A_385 = arith.constant 0 : i32
          %dma_start3A_386 = tpu.memref_slice %arg16[%dma_start3A_384, %dma_start3A_385] : memref<1024x16xf32, #tpu.memory_space<vmem>> -> memref<128x16xf32, #tpu.memory_space<vmem>>
          %dma_start3A_387 = arith.constant 0 : i32
          %dma_start3A_388 = tpu.memref_slice %arg11[%run_scoped3A_382, %dma_start3A_387] : memref<8x128xi32, #tpu.memory_space<vmem>> -> memref<1x128xi32, #tpu.memory_space<vmem>>
          %dma_start3A_389 = tpu.memref_squeeze %dma_start3A_388 : memref<1x128xi32, #tpu.memory_space<vmem>> -> memref<128xi32, #tpu.memory_space<vmem>>
          %dma_start3A_390 = arith.constant 0 : i32
          %dma_start3A_391 = arith.constant 0 : i32
          %dma_start3A_392 = tpu.memref_slice %arg18[%dma_start3A_390, %dma_start3A_391] : memref<10240x16xf32, #tpu.memory_space<vmem_shared>> -> memref<10240x16xf32, #tpu.memory_space<vmem_shared>>
          tpu.enqueue_indirect_dma source(%dma_start3A_386 : memref<128x16xf32, #tpu.memory_space<vmem>>) target(%dma_start3A_392 : memref<10240x16xf32, #tpu.memory_space<vmem_shared>>) offsets(%dma_start3A_389 : memref<128xi32, #tpu.memory_space<vmem>>) semaphore(%run_scoped3A_383 : memref<!tpu.dma_semaphore, #tpu.memory_space<semaphore_mem>>) {add = true}
          %dma_wait3A_393 = arith.constant 896 : i32
          %dma_wait3A_394 = arith.constant 0 : i32
          %dma_wait3A_395 = tpu.memref_slice %arg16[%dma_wait3A_393, %dma_wait3A_394] : memref<1024x16xf32, #tpu.memory_space<vmem>> -> memref<128x16xf32, #tpu.memory_space<vmem>>
          %dma_wait3A_396 = arith.constant 0 : i32
          %dma_wait3A_397 = tpu.memref_slice %arg11[%run_scoped3A_382, %dma_wait3A_396] : memref<8x128xi32, #tpu.memory_space<vmem>> -> memref<1x128xi32, #tpu.memory_space<vmem>>
          %dma_wait3A_398 = tpu.memref_squeeze %dma_wait3A_397 : memref<1x128xi32, #tpu.memory_space<vmem>> -> memref<128xi32, #tpu.memory_space<vmem>>
          %dma_wait3A_399 = arith.constant 0 : i32
          %dma_wait3A_400 = arith.constant 0 : i32
          %dma_wait3A_401 = tpu.memref_slice %arg18[%dma_wait3A_399, %dma_wait3A_400] : memref<10240x16xf32, #tpu.memory_space<vmem_shared>> -> memref<10240x16xf32, #tpu.memory_space<vmem_shared>>
          tpu.wait_indirect_dma semaphore(%run_scoped3A_383 : memref<!tpu.dma_semaphore, #tpu.memory_space<semaphore_mem>>) src(%dma_wait3A_395 : memref<128x16xf32, #tpu.memory_space<vmem>>) dst(%dma_wait3A_401 : memref<10240x16xf32, #tpu.memory_space<vmem_shared>>)
          tpu.yield
        }) : () -> ()
      } else {
      }
    }
    %scan3A_11 = arith.constant 6 : i32
    %barrier3A_12 = arith.constant 0 : index
    tpu.barrier barrier_id(%barrier3A_12)
    %mul3A_13 = arith.constant 10240 : i32
    %mul3A_14 = arith.muli %arg0, %mul3A_13 : i32
    %mul3A_15 = arith.constant 640 : i32
    %mul3A_16 = arith.muli %arg1, %mul3A_15 : i32
    %add3A_17 = arith.addi %mul3A_14, %mul3A_16 : i32
    %multiple_of3A_18 = tpu.assume_multiple %add3A_17, 128 : i32
    %mul3A_19 = arith.constant 640 : i32
    %mul3A_20 = arith.muli %arg1, %mul3A_19 : i32
    %multiple_of3A_21 = tpu.assume_multiple %mul3A_20, 128 : i32
    "tpu.region"() ({
      %run_scoped3A = tpu.sem_alloc : memref<!tpu.dma_semaphore, #tpu.memory_space<semaphore_mem>>
      %dma_start3A = arith.constant 0 : i32
      %dma_start3A_22 = tpu.memref_slice %arg9[%multiple_of3A_18, %dma_start3A] : memref<20480x16xf32, #tpu.memory_space<hbm>> -> memref<640x16xf32, #tpu.memory_space<hbm>>
      %dma_start3A_23 = arith.constant 0 : i32
      %dma_start3A_24 = tpu.memref_slice %arg18[%multiple_of3A_21, %dma_start3A_23] : memref<10240x16xf32, #tpu.memory_space<vmem_shared>> -> memref<640x16xf32, #tpu.memory_space<vmem_shared>>
      tpu.enqueue_dma source(%dma_start3A_24 : memref<640x16xf32, #tpu.memory_space<vmem_shared>>) target(%dma_start3A_22 : memref<640x16xf32, #tpu.memory_space<hbm>>) target_semaphore(%run_scoped3A : memref<!tpu.dma_semaphore, #tpu.memory_space<semaphore_mem>>)
      %dma_wait3A = arith.constant 0 : i32
      %dma_wait3A_25 = tpu.memref_slice %arg9[%multiple_of3A_18, %dma_wait3A] : memref<20480x16xf32, #tpu.memory_space<hbm>> -> memref<640x16xf32, #tpu.memory_space<hbm>>
      %dma_wait3A_26 = arith.constant 0 : i32
      %dma_wait3A_27 = tpu.memref_slice %arg18[%multiple_of3A_21, %dma_wait3A_26] : memref<10240x16xf32, #tpu.memory_space<vmem_shared>> -> memref<640x16xf32, #tpu.memory_space<vmem_shared>>
      tpu.wait_dma2 semaphore(%run_scoped3A : memref<!tpu.dma_semaphore, #tpu.memory_space<semaphore_mem>>) src(%dma_wait3A_27 : memref<640x16xf32, #tpu.memory_space<vmem_shared>>) dst(%dma_wait3A_25 : memref<640x16xf32, #tpu.memory_space<hbm>>)
      tpu.yield
    }) : () -> ()
    return
  }
}

</mosaic_0001>

<sc_bundles>
// kernel: _edge_soft.3.cloned.1.call-start
scs
__scs_entry_jumppad:
0x0: {  	(pc) =	sbr.rel $0x88, $3  }
0x1: {  	(tag) =	ssettag $0x0;
	lr =	simm.s32 $0x1  }
0x2: {  	[smem:$0x3F9B] =	sst lr;
	_ =	strace $0xD0000000  }
0x3: {  	_ = 	snop  }
0x4: {  	_ = 	snop  }
0x5: {  	_ = 	snop  }
0x6: {  	_ = 	snop  }
0x7: {  	_ = 	snop  }
__scs_overlays_trampoline_lowered:
0x8: {  	[smem:$0x3FAA] =	sst s0  }
0x9: {  	[smem:$0x3FAB] =	sst s1  }
0xa: {  	[smem:$0x3FAC] =	sst s2  }
0xb: {  	[smem:$0x3FAD] =	sst s3  }
0xc: {  	[smem:$0x3FAE] =	sst s4  }
0xd: {  	[smem:$0x3FAF] =	sst s5  }
0xe: {  	[smem:$0x3FB0] =	sst s6  }
0xf: {  	[smem:$0x3FB1] =	sst s7  }
0x10: {  	[smem:$0x3FB2] =	sst s8  }
0x11: {  	[smem:$0x3FB3] =	sst s9;
	s0 =	simm.s32 @!p0 $0x0  }
0x12: {  	s1 =	sld [smem:$0x3F99];
	s0 =	simm.s32 @p0 $0x1  }
0x13: {  	[smem:$0x3FB4] =	sst s0;
	s0 =	simm.s32 @!p1 $0x0  }
0x14: {  	s2 =	sld [smem:$0x3F98];
	s0 =	simm.s32 @p1 $0x1  }
0x15: {  	[smem:$0x3FB5] =	sst s0;
	s0 =	simm.s32 @!p2 $0x0  }
0x16: {  	s3 =	sld [smem:$0x3FDB];
	s0 =	simm.s32 @p2 $0x1  }
0x17: {  	s4 =	simm.s32 $0x1BF5;
	[smem:$0x3FB7] =	sst s0  }
0x18: {  	s0 =	sld [smem:$0x3F9A];
	_ =	swait.ge [sflag:s4], $0x0  }
0x19: {  	s7 =	sld [smem:$0x3F9B]  }
0x1a: {  	s8 =	sadd.s32 $0xFFFFE003, lr  }
0x1b: {  	s9 =	sadd.s32 $0xFFFFFEF7, lr;
	s5 =	simm.s32 $0xFFFFFFFF;
	p2 =	slt.u32 s8, $0xFFFFF086  }
0x1c: {  	p1 =	slt.u32 s9, $0xF7A;
	s5 =	simm.s32 @!p2 $0x0  }
0x1d: {  	s5 =	simm.s32 @p1 $0x1;
	p0 =	seq.s32 s7, s2  }
0x1e: {  	s7 =	smul.u32 @!p0 $0xF7A, s2;
	p2 =	seq.s32 @!p0 s5, $0x0  }
0x1f: {  	s9 =	smul.u32 $0xF7A, s1;
	s8 =	simm.s32 @!p0 $0x1BF5;
	p2 =	por !p2, p0  }
0x20: {  	[sflag:s8] =	ssyncset.s32 @!p0 $0xFFFFF086;
	s6 =	sadd.s32 @!p0 s3, s7;
	s7 =	simm.s32 @!p0 $0x108  }
0x21: {  	s3 =	sadd.s32 s3, s9;
	s6 =	sadd.s32 @!p0 $0x88, s6;
	s7 =	simm.s32 @p2 $0x1082  }
0x22: {  	[simem:s7], [sflag:s8] =	dma.local @!p0 [hbm:s6], $0xF7A  }
0x23: {  	s9 =	sor.u32 $0xD0000000, s2;
	s6 =	simm.s32 $0x108;
	_ =	swait.ge @!p0 [sflag:s8], $0x0  }
0x24: {  	s3 =	sadd.s32 $0x88, s3;
	s6 =	simm.s32 @!p1 $0x1082;
	[sflag:s4] =	ssyncset.s32 $0xFFFFF086  }
0x25: {  	[simem:s6], [sflag:s4] =	dma.local [hbm:s3], $0xF7A  }
0x26: {  	[smem:$0x3F9B] =	sst s1;
	(tag) =	ssettag s2;
	_ =	strace s9  }
0x27: {  	s1 =	sld [smem:$0x3FAB]  }
0x28: {  	s2 =	sld [smem:$0x3FAC]  }
0x29: {  	s4 =	sld [smem:$0x3FAE]  }
0x2a: {  	p0 =	seq.s32 s5, $0x0;
	s5 =	sld [smem:$0x3FAF]  }
0x2b: {  	s6 =	sld [smem:$0x3FB0]  }
0x2c: {  	s7 =	sld [smem:$0x3FB1]  }
0x2d: {  	s3 =	simm.s32 $0x108;
	s8 =	sld [smem:$0x3FB2]  }
0x2e: {  	s3 =	simm.s32 @!p0 $0x1082;
	s9 =	sld [smem:$0x3FB3]  }
0x2f: {  	lr =	sadd.s32 s0, s3;
	s0 =	sld [smem:$0x3FAA]  }
0x30: {  	s3 =	sld [smem:$0x3FAD]  }
0x31: {  	[smem:$0x3FB6] =	sst s10  }
0x32: {  	s10 =	sld [smem:$0x3FB4];
	_ =	sdelay $0x3  }
0x33: {  	p0 =	seq.s32 s10, $0x1;
	s10 =	sld [smem:$0x3FB6];
	_ =	sdelay $0x3  }
0x34: {  	[smem:$0x3FB6] =	sst s10  }
0x35: {  	s10 =	sld [smem:$0x3FB5];
	_ =	sdelay $0x3  }
0x36: {  	p1 =	seq.s32 s10, $0x1;
	s10 =	sld [smem:$0x3FB6];
	_ =	sdelay $0x3  }
0x37: {  	[smem:$0x3FB6] =	sst s10  }
0x38: {  	s10 =	sld [smem:$0x3FB7]  }
0x39: {  	_ = 	snop;
	(pc) =	sbr.ind lr, $3  }
0x3a: {  	_ = 	snop  }
0x3b: {  	_ = 	snop  }
0x3c: {  	p2 =	seq.s32 s10, $0x1;
	s10 =	sld [smem:$0x3FB6]  }
0x3d: {  	_ =	shalt  }
0x3e: {  	_ =	shalt  }
0x3f: {  	_ =	shalt  }
0x40: {  	_ =	shalt  }
0x41: {  	_ =	shalt  }
0x42: {  	_ =	shalt  }
0x43: {  	_ =	shalt  }
0x44: {  	_ =	shalt  }
0x45: {  	_ =	shalt  }
0x46: {  	_ =	shalt  }
0x47: {  	_ =	shalt  }
0x48: {  	_ =	shalt  }
0x49: {  	_ =	shalt  }
0x4a: {  	_ =	shalt  }
0x4b: {  	_ =	shalt  }
0x4c: {  	_ =	shalt  }
0x4d: {  	_ =	shalt  }
0x4e: {  	_ =	shalt  }
0x4f: {  	_ =	shalt  }
0x50: {  	_ =	shalt  }
0x51: {  	_ =	shalt  }
0x52: {  	_ =	shalt  }
0x53: {  	_ =	shalt  }
0x54: {  	_ =	shalt  }
0x55: {  	_ =	shalt  }
0x56: {  	_ =	shalt  }
0x57: {  	_ =	shalt  }
0x58: {  	_ =	shalt  }
0x59: {  	_ =	shalt  }
0x5a: {  	_ =	shalt  }
0x5b: {  	_ =	shalt  }
0x5c: {  	_ =	shalt  }
0x5d: {  	_ =	shalt  }
0x5e: {  	_ =	shalt  }
0x5f: {  	_ =	shalt  }
0x60: {  	_ =	shalt  }
0x61: {  	_ =	shalt  }
0x62: {  	_ =	shalt  }
0x63: {  	_ =	shalt  }
0x64: {  	_ =	shalt  }
0x65: {  	_ =	shalt  }
0x66: {  	_ =	shalt  }
0x67: {  	_ =	shalt  }
0x68: {  	_ =	shalt  }
0x69: {  	_ =	shalt  }
0x6a: {  	_ =	shalt  }
0x6b: {  	_ =	shalt  }
0x6c: {  	_ =	shalt  }
0x6d: {  	_ =	shalt  }
0x6e: {  	_ =	shalt  }
0x6f: {  	_ =	shalt  }
0x70: {  	_ =	shalt  }
0x71: {  	_ =	shalt  }
0x72: {  	_ =	shalt  }
0x73: {  	_ =	shalt  }
0x74: {  	_ =	shalt  }
0x75: {  	_ =	shalt  }
0x76: {  	_ =	shalt  }
0x77: {  	_ =	shalt  }
0x78: {  	_ =	shalt  }
0x79: {  	_ =	shalt  }
0x7a: {  	_ =	shalt  }
0x7b: {  	_ =	shalt  }
0x7c: {  	_ =	shalt  }
0x7d: {  	_ =	shalt  }
0x7e: {  	_ =	shalt  }
0x7f: {  	_ =	shalt  }
0x80: {  	_ =	shalt  }
0x81: {  	_ =	shalt  }
0x82: {  	_ =	shalt  }
0x83: {  	_ =	shalt  }
0x84: {  	_ =	shalt  }
0x85: {  	_ =	shalt  }
0x86: {  	_ =	shalt  }
0x87: {  	_ =	shalt  }
.Lfunc_end0:
.L_simem_size_0:
called_computation_lowered:
.L_overlay_start_0:
0x88: {  	s2 =	sld [smem:$0x3FD9]  }
0x89: {  	s3 =	sld [smem:$0x3FFE];
	_ =	sdelay $0x1  }
0x8a: {  	s1 =	srdreg.scid  }
0x8b: {  	s0 =	sand.u32 $0x1, s1  }
0x8c: {  	s14 =	sshll.u32 s0, $0xA;
	s2 =	sadd.s32 s3, s2  }
0x8d: {  	s2 =	sadd.s32 s2, s14  }
0x8e: {  	[smem:$0x3FC2] =	sst s2  }
0x8f: {  	_ = 	snop  }
0x90: {  	s2 =	sld [smem:$0x3FD0]  }
0x91: {  	s15 =	sld [smem:$0x3FC9]  }
0x92: {  	s4 =	sld [smem:$0x3FC8]  }
0x93: {  	s6 =	simm.s32 $0xA;
	s7 =	simm.s32 $0x10;
	s5 =	sld [smem:$0x3FC4]  }
0x94: {  	[smem:s7], [sflag:s6] =	dma.local [hbm:s2], $0x1  }
0x95: {  	_ =	swait.eq [sflag:s6], $0x1  }
0x96: {  	[sflag:s6] =	ssyncset.done $0x0  }
0x97: {  	s16 =	sld [smem:$0x10];
	[sflag:s6] =	ssyncadd.s32 $0xFFFFFFFF  }
0x98: {  	s17 =	sld [smem:$0x11];
	(tm) =	ssettm $0x1  }
0x99: {  	s18 =	sld [smem:$0x3FFB];
	_ =	sdelay $0x3  }
0x9a: {  	_ =	strace s18  }
0x9b: {  	s7 =	sld [smem:$0x3FFC];
	_ =	sdelay $0x3  }
0x9c: {  	_ =	strace s7  }
0x9d: {  	s7 =	sld [smem:$0x3FFD];
	_ =	sdelay $0x3  }
0x9e: {  	_ =	strace s7  }
0x9f: {  	_ =	strace $0x8FFFFFFF  }
0xa0: {  	s19 =	sld [smem:$0x3FDB];
	_ =	sdelay $0x1  }
0xa1: {  	s8 =	simm.s32 $_scs_section_size  }
0xa2: {  	s9 =	simm.s32 $_size__tile_overlayer_lowered;
	s10 =	simm.s32 $_tile_overlayer_lowered  }
0xa3: {  	s22 =	simm.s32 $0x1BFF;
	s21 =	sshll.u32 s10, $0x1;
	s7 =	sadd.s32 s8, s19  }
0xa4: {  	s11 =	simm.s32 $0x0;
	s20 =	sshll.u32 s9, $0x1;
	s9 =	sadd.s32 s21, s7  }
0xa5: {  	[timem:s11], [sflag:s22] =	dma.local [hbm:s9], s20  }
0xa6: {  	_ =	swait.ge [sflag:s22], s20  }
0xa7: {  	s8 =	ssub.s32 $0x0, s20;
	[sflag:s22] =	ssyncset.done $0x0  }
0xa8: {  	[sflag:s22] =	ssyncadd.s32 s8;
	_ =	sdelay $0x1  }
0xa9: {  	s23 =	simm.s32 $0x1B8B  }
0xaa: {  	_ =	swait.ge [sflag:s23], $0x1  }
0xab: {  	[sflag:s23] =	ssyncset.done $0x0  }
0xac: {  	s25 =	simm.s32 $0x1B8E;
	s24 =	sld [smem:$0x3FFE];
	[sflag:s23] =	ssyncadd.s32 $0xFFFFFFFF  }
0xad: {  	s26 =	simm.s32 $execute0_lowered;
	[smem:$0x3FD2] =	sst s25  }
0xae: {  	s9 =	sshll.u32 s26, $0x1;
	_ =	strace $0x80000046;
	[dreg:$0x1] =	wrdreg $0xFFFFFFFF  }
0xaf: {  	s28 =	simm.s32 $_size_execute0_lowered;
	s7 =	sadd.s32 s7, s9;
	[dreg:$0x0] =	wrdreg $0x0  }
0xb0: {  	s9 =	sshll.u32 s28, $0x1;
	[dreg:$0x2] =	wrdreg s7  }
0xb1: {  	[dreg:$0x3] =	wrdreg s9  }
0xb2: {  	[dreg:$0x4] =	wrdreg $0xC0  }
0xb3: {  	_ =	task [dreg:s11], $0x5FFFF  }
0xb4: {  	[dreg:$0x1] =	wrdreg $0xFFFFFFFF  }
0xb5: {  	[dreg:$0x0] =	wrdreg $0x60  }
0xb6: {  	[dreg:$0x2] =	wrdreg s15  }
0xb7: {  	[dreg:$0x3] =	wrdreg s4  }
0xb8: {  	[dreg:$0x4] =	wrdreg s24  }
0xb9: {  	[dreg:$0x5] =	wrdreg s5  }
0xba: {  	[dreg:$0x6] =	wrdreg s16  }
0xbb: {  	[dreg:$0x7] =	wrdreg s17  }
0xbc: {  	[dreg:$0x8] =	wrdreg $0x13C000  }
0xbd: {  	[dreg:$0x9] =	wrdreg $0x9  }
0xbe: {  	_ =	task.clear_ibuf [dreg:s11], $0xAFFFF;
	_ =	strace $0x90000046  }
0xbf: {  	s29 =	simm.s32 $0x9;
	_ =	strace $0x80000048  }
0xc0: {  	_ =	swait.ge [sflag:s29], $0x1  }
0xc1: {  	[sflag:s29] =	ssyncadd.s32 $0xFFFFFFFF  }
0xc2: {  	_ =	strace $0x90000048  }
0xc3: {  	_ =	sfence  }
0xc4: {  	s30 =	sld [smem:$0x0];
	_ =	sdelay $0x2  }
0xc5: {  	s31 =	sshll.u32 s1, $0xD;
	s1 =	sshrl.u32 s1, $0x2  }
0xc6: {  	s3 =	sand.u32 $0x4000, s31;
	s1 =	sadd.s32 s1, s30  }
0xc7: {  	s0 =	sor.u32 s3, s0;
	s1 =	sshll.u32 s1, $0x11  }
0xc8: {  	s0 =	sor.u32 s1, s0  }
0xc9: {  	s0 =	sadd.s32 $0x8F2B, s0  }
0xca: {  	[sflag:s0] =	ssyncadd.remote.s32 $0x1  }
0xcb: {  	_ =	sfence.sel $0xFFFF  }
0xcc: {  	[dreg:$0x0] =	wrdreg $0xFFFFFFFF;
	(pc) =	sbr.abs _section_cstart, $3  }
0xcd: {  	[dreg:$0x1] =	wrdreg $0xFFFFFFFF  }
0xce: {  	_ =	task.clear_ibuf [dreg:s11], $0x2FFFF;
	_ =	strace $0x9FFFFFFF  }
0xcf: {  	(tm) =	ssettm $0x7FFFFFFF  }
tec
execute0_lowered:
.L_overlay_start_1:
0x0: {  	(tag) =	ssettag $0x1  }
0x1: {  	s0 =	rddreg [dreg:$0x2]  }
0x2: {  	s1 =	rddreg [dreg:$0x4]  }
0x3: {  	s2 =	rddreg [dreg:$0x5]  }
0x4: {  	s11 =	rddreg [dreg:$0x6]  }
0x5: {  	s6 =	simm.s32 $0x0;
	s3 =	srdreg.scid;
	s10 =	stileid.u32  }
0x6: {  	s16 =	simm.s32 $0xCC00;
	s18 =	simm.s32 $0x3;
	s17 =	simm.s32 $0x400  }
0x7: {  	s29 =	simm.s32 $0x580;
	[smem:$0x7FF] =	sst s6;
	s4 =	smul.u32 $0x500, s10  }
0x8: {  	s3 =	sand.u32 $0x1, s3;
	s5 =	sadd.s32 $0x5C00, s0;
	s7 =	smul.u32 $0xA000, s10  }
0x9: {  	s8 =	sadd.s32 $0xC00, s0;
	s9 =	smul.u32 $0x3000, s10;
	s0 =	sadd.s32 $0x300C00, s0  }
0xa: {  	s25 =	sshll.u32 s10, $0x1;
	_ =	strace $0x80000047;
	[dreg:$0x8] =	wrdreg s5  }
0xb: {  	s21 =	ssub.s32 $0x2, s3;
	[dreg:$0x9] =	wrdreg s8;
	s24 =	smul.u32 $0x1800, s3  }
0xc: {  	[dreg:$0xa] =	wrdreg s0;
	s26 =	smul.u32 $0x5000, s3;
	s3 =	sor.u32 s3, s25  }
0xd: {  	s8 =	simm.s32 $0x700;
	s22 =	sshrl.u32 s21, $0x1;
	s7 =	sshrl.u32 s7, $0x2  }
0xe: {  	s13 =	smul.u32 $0x1800, s3;
	s3 =	simm.s32 $0x600;
	s23 =	ssub.s32 s21, s22  }
0xf: {  	s7 =	sadd.s32 s7, s11;
	s5 =	sadd.s32 s24, s9;
	s28 =	sadd.s32 s4, s26  }
0x10: {  	s21 =	simm.s32 $0xC800;
	s22 =	simm.s32 $0x80;
	[dreg:$0xc] =	wrdreg s5  }
.Ltmp0:
0x11: {  	s24 =	simm.s32 $0x480;
	[dreg:$0xb] =	wrdreg s7;
	(pc) =	sbr.rel .LBB2_1-.Ltmp0, $4  }
0x12: {  	s26 =	simm.s32 $0x500;
	s2 =	sadd.s32 s2, s28;
	[dreg:$0xd] =	wrdreg s13  }
0x13: {  	v0 =	vimm.f32 $0.0e+00;
	v1 =	vimm.s32 $0x0;
	vm0 =	vcmask $0x300;
	s30 =	sshrl.u32 s5, $0x3;
	s0 =	smax.u32 s23, $0x1;
	[dreg:$0xe] =	wrdreg s2  }
0x14: {  	v3 =	vlaneseq.u32;
	vm1 =	vmmov $0xfff;
	v2 =	vimm.f32 $1.000000000e+00;
	s4 =	simm.s32 $0x680;
	[dreg:$0xf] =	wrdreg s0;
	s31 =	sadd.s32 s30, s1  }
0x15: {  	v1 =	vsel vm0, $0x3, v1;
	vm0 =	vcmask $0x3F34;
	v3 =	vmul.u32 $0x10, v3;
	s9 =	simm.s32 $0x780;
	s2 =	simm.s32 $0x0;
	[dreg:$0x10] =	wrdreg s31  }
.LBB2_17:
0x16: {  	s0 =	stileid.u32;
	[bflag:$0x0] =	sbarrier.arrive $0xFFFF  }
0x17: {  	s28 =	simm.s32 $0x2;
	s0 =	sshll.u32 s0, $0x6;
	s7 =	rddreg [dreg:$0xb]  }
0x18: {  	s2 =	rddreg [dreg:$0xe];
	s0 =	sor.u32 $0x1C02, s0;
	s1 =	sshrl.u32 s7, $0x3  }
0x19: {  	[hbm:s2], [sflag:s0] =	dma.local [spmem:s1], $0x500  }
0x1a: {  	_ =	swait.ge [sflag:s28], $0x500  }
0x1b: {  	s30 =	rddreg [dreg:$0x11]  }
0x1c: {  	s31 =	rddreg [dreg:$0xf];
	s2 =	sadd.s32 $0x1, s30  }
0x1d: {  	p0 =	sne.s32 s2, s31  }
.Ltmp1:
0x1e: {  	_ = 	snop;
	(pc) =	sbr.rel @!p0 .LBB2_18-.Ltmp1, $3  }
0x1f: {  	_ =	sdelay $0x1  }
0x20: {  	[sflag:s28] =	ssyncset.done $0x0  }
0x21: {  	[sflag:s28] =	ssyncadd.s32 $0xFFFFFB00  }
.LBB2_1:
0x22: {  	s0 =	simm.s32 $0x40;
	s1 =	simm.s32 $0x0  }
.LBB2_2:
0x23: {  	p0 =	sne.s32 s0, $0xFFC0;
	[tilespmem:s1+$0xCC00] =	vst v0;
	s1 =	smov.u32 s0;
	s0 =	sadd.s32 $0x40, s0  }
.Ltmp2:
0x24: {  	(pc) =	sbr.rel @p0 .LBB2_2-.Ltmp2, $2  }
0x25: {  	_ =	sdelay $0x2  }
0x26: {  	s1 =	sshra.s32 s1, $0x2  }
0x27: {  	[dreg:$0x11] =	wrdreg s2;
	[tilespmem:s1+$0xCC00] =	vst v0;
	s0 =	simm.s32 $0x2  }
0x28: {  	[spmem:s7] =	stream.linear.scatter [tilespmem:s16], [sflag:$0x2], $0x2800, $0x38;
	[tilespmem:$0x16400] =	vst v63  }
0x29: {  	_ =	swait.ge [sflag:s0], $0x2800  }
.Ltmp3:
0x2a: {  	[sflag:s0] =	ssyncset.done $0x0;
	(pc) =	sbr.rel .LBB2_4-.Ltmp3, $4  }
0x2b: {  	[sflag:s0] =	ssyncadd.s32 $0xFFFFD800  }
0x2c: {  	[bflag:$0x0] =	sbarrier.arrive $0xFFFF  }
0x2d: {  	s5 =	rddreg [dreg:$0x10]  }
0x2e: {  	s1 =	simm.s32 $0x0;
	s31 =	rddreg [dreg:$0xc]  }
.LBB2_15:
0x2f: {  	[sflag:s18] =	ssyncset.done $0x0  }
0x30: {  	[sflag:s18] =	ssyncadd.s32 $0xFFFFFC00  }
0x31: {  	s0 =	rddreg [dreg:$0x6]  }
0x32: {  	[spmem:s0] =	stream.indirect.scatter.add.f32 [tilespmem:s16], [sflag:$0x3], $0x10, s17, s22, $0xb8;
	[tilespmem:$0x16400] =	vst v63  }
0x33: {  	_ =	swait.ge [sflag:s18], $0x800  }
0x34: {  	[sflag:s18] =	ssyncset.done $0x0  }
0x35: {  	s1 =	simm.s32 $0xD400;
	[sflag:s18] =	ssyncadd.s32 $0xFFFFF800  }
0x36: {  	[spmem:s0] =	stream.indirect.scatter.add.f32 [tilespmem:s1], [sflag:$0x3], $0x10, s24, s22, $0xb8;
	[tilespmem:$0x16400] =	vst v63  }
0x37: {  	_ =	swait.ge [sflag:s18], $0x800  }
0x38: {  	[sflag:s18] =	ssyncset.done $0x0  }
0x39: {  	s15 =	simm.s32 $0xDC00;
	[sflag:s18] =	ssyncadd.s32 $0xFFFFF800  }
0x3a: {  	[spmem:s0] =	stream.indirect.scatter.add.f32 [tilespmem:s15], [sflag:$0x3], $0x10, s26, s22, $0xb8;
	[tilespmem:$0x16400] =	vst v63  }
0x3b: {  	_ =	swait.ge [sflag:s18], $0x800  }
0x3c: {  	[sflag:s18] =	ssyncset.done $0x0  }
0x3d: {  	s19 =	simm.s32 $0xE400;
	[sflag:s18] =	ssyncadd.s32 $0xFFFFF800  }
0x3e: {  	[spmem:s0] =	stream.indirect.scatter.add.f32 [tilespmem:s19], [sflag:$0x3], $0x10, s29, s22, $0xb8;
	[tilespmem:$0x16400] =	vst v63  }
0x3f: {  	_ =	swait.ge [sflag:s18], $0x800  }
0x40: {  	[sflag:s18] =	ssyncset.done $0x0  }
0x41: {  	s20 =	simm.s32 $0xEC00;
	[sflag:s18] =	ssyncadd.s32 $0xFFFFF800  }
0x42: {  	[spmem:s0] =	stream.indirect.scatter.add.f32 [tilespmem:s20], [sflag:$0x3], $0x10, s3, s22, $0xb8;
	[tilespmem:$0x16400] =	vst v63  }
0x43: {  	_ =	swait.ge [sflag:s18], $0x800  }
0x44: {  	[sflag:s18] =	ssyncset.done $0x0  }
0x45: {  	s4 =	simm.s32 $0x680;
	s23 =	simm.s32 $0xF400;
	[sflag:s18] =	ssyncadd.s32 $0xFFFFF800  }
0x46: {  	[spmem:s0] =	stream.indirect.scatter.add.f32 [tilespmem:s23], [sflag:$0x3], $0x10, s4, s22, $0xb8;
	[tilespmem:$0x16400] =	vst v63  }
0x47: {  	_ =	swait.ge [sflag:s18], $0x800  }
0x48: {  	[sflag:s18] =	ssyncset.done $0x0  }
0x49: {  	s8 =	simm.s32 $0x700;
	s25 =	simm.s32 $0xFC00;
	[sflag:s18] =	ssyncadd.s32 $0xFFFFF800  }
0x4a: {  	[spmem:s0] =	stream.indirect.scatter.add.f32 [tilespmem:s25], [sflag:$0x3], $0x10, s8, s22, $0xb8;
	[tilespmem:$0x16400] =	vst v63  }
0x4b: {  	_ =	swait.ge [sflag:s18], $0x800  }
0x4c: {  	[sflag:s18] =	ssyncset.done $0x0  }
0x4d: {  	s28 =	simm.s32 $0x10400;
	s30 =	simm.s32 $0x2;
	[sflag:s18] =	ssyncadd.s32 $0xFFFFF800  }
0x4e: {  	[spmem:s0] =	stream.indirect.scatter.add.f32 [tilespmem:s28], [sflag:$0x2], $0x10, s9, s22, $0xb8;
	[tilespmem:$0x16400] =	vst v63  }
0x4f: {  	_ =	swait.ge [sflag:s30], $0x800  }
0x50: {  	[sflag:s30] =	ssyncset.done $0x0  }
0x51: {  	s1 =	rddreg [dreg:$0x12];
	[sflag:s30] =	ssyncadd.s32 $0xFFFFF800  }
.LBB2_16:
0x52: {  	s1 =	sadd.s32 $0x1, s1  }
0x53: {  	p0 =	sne.s32 s1, $0x6  }
.Ltmp4:
0x54: {  	_ = 	snop;
	(pc) =	sbr.rel @!p0 .LBB2_17-.Ltmp4, $2  }
0x55: {  	_ =	sdelay $0x2  }
0x56: {  	s31 =	sadd.s32 $0x400, s31;
	s5 =	sadd.s32 $0x80, s5  }
.LBB2_4:
0x57: {  	s0 =	sshll.u32 s1, $0xA  }
0x58: {  	s0 =	sadd.s32 s13, s0  }
0x59: {  	p0 =	sgt.u32 s0, $0x2980F  }
.Ltmp5:
0x5a: {  	_ = 	snop;
	(pc) =	sbr.rel @p0 .LBB2_16-.Ltmp5, $1  }
0x5b: {  	_ =	sdelay $0x3  }
0x5c: {  	[dreg:$0x13] =	wrdreg s5  }
0x5d: {  	s7 =	sshrl.u32 s0, $0x3;
	s2 =	rddreg [dreg:$0x0]  }
0x5e: {  	[dreg:$0x12] =	wrdreg s1;
	s5 =	simm.s32 $0x0;
	s2 =	sadd.s32 s2, s7  }
0x5f: {  	[tilespmem:s5], [sflag:$0x3] =	stream.linear.gather [hbm4b:s2+s5], $0x400, $0x38;
	[tilespmem:$0x16400] =	vst v63  }
0x60: {  	_ =	swait.ge [sflag:s18], $0x400  }
0x61: {  	[sflag:s18] =	ssyncset.done $0x0  }
0x62: {  	[sflag:s18] =	ssyncadd.s32 $0xFFFFFC00  }
0x63: {  	s10 =	rddreg [dreg:$0x1]  }
0x64: {  	s2 =	sadd.s32 s10, s7  }
0x65: {  	[tilespmem:s17], [sflag:$0x3] =	stream.linear.gather [hbm4b:s2+s5], $0x400, $0x38;
	[tilespmem:$0x16400] =	vst v63  }
0x66: {  	_ =	swait.ge [sflag:s18], $0x400  }
0x67: {  	s11 =	sshll.u32 s0, $0x1;
	[sflag:s18] =	ssyncset.done $0x0;
	s12 =	rddreg [dreg:$0xa]  }
0x68: {  	s14 =	simm.s32 $0x8800;
	[sflag:s18] =	ssyncadd.s32 $0xFFFFFC00;
	s0 =	sadd.s32 s12, s11  }
0x69: {  	[tilespmem:s14], [sflag:$0x3] =	stream.linear.gather [hbm4b:s0+s5], $0x4000, $0x38;
	[tilespmem:$0x16400] =	vst v63  }
0x6a: {  	_ =	swait.ge [sflag:s18], $0x4000  }
0x6b: {  	[sflag:s18] =	ssyncset.done $0x0  }
0x6c: {  	[sflag:s18] =	ssyncadd.s32 $0xFFFFC000  }
0x6d: {  	s15 =	rddreg [dreg:$0x3]  }
0x6e: {  	s0 =	sadd.s32 s15, s7  }
0x6f: {  	[tilespmem:s21], [sflag:$0x3] =	stream.linear.gather [hbm4b:s0+s5], $0x400, $0x38;
	[tilespmem:$0x16400] =	vst v63  }
0x70: {  	_ =	swait.ge [sflag:s18], $0x400  }
0x71: {  	[sflag:s18] =	ssyncset.done $0x0  }
0x72: {  	s19 =	simm.s32 $0x800;
	s0 =	rddreg [dreg:$0x8];
	[sflag:s18] =	ssyncadd.s32 $0xFFFFFC00  }
0x73: {  	[tilespmem:s19], [sflag:$0x1] =	stream.indirect.gather [hbm4b:s0+s22], $0x10, s5, s22, $0xb8;
	[tilespmem:$0x16400] =	vst v63  }
0x74: {  	s20 =	simm.s32 $0x1000  }
0x75: {  	[tilespmem:s20], [sflag:$0x1] =	stream.indirect.gather [hbm4b:s0+s22], $0x10, s22, s22, $0xb8;
	[tilespmem:$0x16400] =	vst v63  }
0x76: {  	s23 =	simm.s32 $0x100;
	s25 =	simm.s32 $0x1800  }
0x77: {  	[tilespmem:s25], [sflag:$0x1] =	stream.indirect.gather [hbm4b:s0+s22], $0x10, s23, s22, $0xb8;
	[tilespmem:$0x16400] =	vst v63  }
0x78: {  	s28 =	simm.s32 $0x180;
	s30 =	simm.s32 $0x2000  }
0x79: {  	[tilespmem:s30], [sflag:$0x1] =	stream.indirect.gather [hbm4b:s0+s22], $0x10, s28, s22, $0xb8;
	[tilespmem:$0x16400] =	vst v63  }
0x7a: {  	s2 =	simm.s32 $0x200;
	s7 =	simm.s32 $0x2800  }
0x7b: {  	[tilespmem:s7], [sflag:$0x1] =	stream.indirect.gather [hbm4b:s0+s22], $0x10, s2, s22, $0xb8;
	[tilespmem:$0x16400] =	vst v63  }
0x7c: {  	s10 =	simm.s32 $0x280;
	s11 =	simm.s32 $0x3000  }
0x7d: {  	[tilespmem:s11], [sflag:$0x1] =	stream.indirect.gather [hbm4b:s0+s22], $0x10, s10, s22, $0xb8;
	[tilespmem:$0x16400] =	vst v63  }
0x7e: {  	s12 =	simm.s32 $0x300;
	s14 =	simm.s32 $0x3800  }
0x7f: {  	[tilespmem:s14], [sflag:$0x1] =	stream.indirect.gather [hbm4b:s0+s22], $0x10, s12, s22, $0xb8;
	[tilespmem:$0x16400] =	vst v63  }
0x80: {  	s15 =	simm.s32 $0x380;
	s19 =	simm.s32 $0x4000  }
0x81: {  	[tilespmem:s19], [sflag:$0x1] =	stream.indirect.gather [hbm4b:s0+s22], $0x10, s15, s22, $0xb8;
	[tilespmem:$0x16400] =	vst v63  }
0x82: {  	s20 =	rddreg [dreg:$0x9];
	s23 =	simm.s32 $0x4800  }
0x83: {  	[tilespmem:s23], [sflag:$0x1] =	stream.indirect.gather [hbm4b:s20+s22], $0x10, s17, s22, $0xb8;
	[tilespmem:$0x16400] =	vst v63  }
0x84: {  	s25 =	simm.s32 $0x5000  }
0x85: {  	[tilespmem:s25], [sflag:$0x1] =	stream.indirect.gather [hbm4b:s20+s22], $0x10, s24, s22, $0xb8;
	[tilespmem:$0x16400] =	vst v63  }
0x86: {  	s28 =	simm.s32 $0x5800  }
0x87: {  	[tilespmem:s28], [sflag:$0x1] =	stream.indirect.gather [hbm4b:s20+s22], $0x10, s26, s22, $0xb8;
	[tilespmem:$0x16400] =	vst v63  }
0x88: {  	s30 =	simm.s32 $0x6000  }
0x89: {  	[tilespmem:s30], [sflag:$0x1] =	stream.indirect.gather [hbm4b:s20+s22], $0x10, s29, s22, $0xb8;
	[tilespmem:$0x16400] =	vst v63  }
0x8a: {  	s2 =	simm.s32 $0x6800  }
0x8b: {  	[tilespmem:s2], [sflag:$0x1] =	stream.indirect.gather [hbm4b:s20+s22], $0x10, s3, s22, $0xb8;
	[tilespmem:$0x16400] =	vst v63  }
0x8c: {  	s3 =	simm.s32 $0x7000  }
0x8d: {  	[tilespmem:s3], [sflag:$0x1] =	stream.indirect.gather [hbm4b:s20+s22], $0x10, s4, s22, $0xb8;
	[tilespmem:$0x16400] =	vst v63  }
0x8e: {  	s7 =	simm.s32 $0x7800  }
0x8f: {  	[tilespmem:s7], [sflag:$0x1] =	stream.indirect.gather [hbm4b:s20+s22], $0x10, s8, s22, $0xb8;
	[tilespmem:$0x16400] =	vst v63  }
0x90: {  	s10 =	simm.s32 $0x1;
	s8 =	simm.s32 $0x8000  }
0x91: {  	[tilespmem:s8], [sflag:$0x1] =	stream.indirect.gather [hbm4b:s20+s22], $0x10, s9, s22, $0xb8;
	[tilespmem:$0x16400] =	vst v63  }
0x92: {  	_ =	swait.ge [sflag:s10], $0x800  }
0x93: {  	[sflag:s10] =	ssyncset.done $0x0  }
0x94: {  	[sflag:s10] =	ssyncadd.s32 $0xFFFFF800  }
0x95: {  	_ =	swait.ge [sflag:s10], $0x800  }
0x96: {  	[sflag:s10] =	ssyncset.done $0x0  }
0x97: {  	[sflag:s10] =	ssyncadd.s32 $0xFFFFF800  }
0x98: {  	_ =	swait.ge [sflag:s10], $0x800  }
0x99: {  	[sflag:s10] =	ssyncset.done $0x0  }
0x9a: {  	[sflag:s10] =	ssyncadd.s32 $0xFFFFF800  }
0x9b: {  	_ =	swait.ge [sflag:s10], $0x800  }
0x9c: {  	[sflag:s10] =	ssyncset.done $0x0  }
0x9d: {  	[sflag:s10] =	ssyncadd.s32 $0xFFFFF800  }
0x9e: {  	_ =	swait.ge [sflag:s10], $0x800  }
0x9f: {  	[sflag:s10] =	ssyncset.done $0x0  }
0xa0: {  	[sflag:s10] =	ssyncadd.s32 $0xFFFFF800  }
0xa1: {  	_ =	swait.ge [sflag:s10], $0x800  }
0xa2: {  	[sflag:s10] =	ssyncset.done $0x0  }
0xa3: {  	[sflag:s10] =	ssyncadd.s32 $0xFFFFF800  }
0xa4: {  	_ =	swait.ge [sflag:s10], $0x800  }
0xa5: {  	[sflag:s10] =	ssyncset.done $0x0  }
0xa6: {  	[sflag:s10] =	ssyncadd.s32 $0xFFFFF800  }
0xa7: {  	_ =	swait.ge [sflag:s10], $0x800  }
0xa8: {  	[sflag:s10] =	ssyncset.done $0x0  }
0xa9: {  	[sflag:s10] =	ssyncadd.s32 $0xFFFFF800  }
0xaa: {  	_ =	swait.ge [sflag:s10], $0x800  }
0xab: {  	[sflag:s10] =	ssyncset.done $0x0  }
0xac: {  	[sflag:s10] =	ssyncadd.s32 $0xFFFFF800  }
0xad: {  	_ =	swait.ge [sflag:s10], $0x800  }
0xae: {  	[sflag:s10] =	ssyncset.done $0x0  }
0xaf: {  	[sflag:s10] =	ssyncadd.s32 $0xFFFFF800  }
0xb0: {  	_ =	swait.ge [sflag:s10], $0x800  }
0xb1: {  	[sflag:s10] =	ssyncset.done $0x0  }
0xb2: {  	[sflag:s10] =	ssyncadd.s32 $0xFFFFF800  }
0xb3: {  	_ =	swait.ge [sflag:s10], $0x800  }
0xb4: {  	[sflag:s10] =	ssyncset.done $0x0  }
0xb5: {  	[sflag:s10] =	ssyncadd.s32 $0xFFFFF800  }
0xb6: {  	_ =	swait.ge [sflag:s10], $0x800  }
0xb7: {  	[sflag:s10] =	ssyncset.done $0x0  }
0xb8: {  	[sflag:s10] =	ssyncadd.s32 $0xFFFFF800  }
0xb9: {  	_ =	swait.ge [sflag:s10], $0x800  }
0xba: {  	[sflag:s10] =	ssyncset.done $0x0  }
0xbb: {  	[sflag:s10] =	ssyncadd.s32 $0xFFFFF800  }
0xbc: {  	_ =	swait.ge [sflag:s10], $0x800  }
0xbd: {  	[sflag:s10] =	ssyncset.done $0x0  }
0xbe: {  	[sflag:s10] =	ssyncadd.s32 $0xFFFFF800  }
0xbf: {  	_ =	swait.ge [sflag:s10], $0x800  }
0xc0: {  	[sflag:s10] =	ssyncset.done $0x0  }
0xc1: {  	s11 =	simm.s32 $0x840;
	[sflag:s10] =	ssyncadd.s32 $0xFFFFF800  }
0xc2: {  	s12 =	simm.s32 $0x4840;
	v4 =	vld [tilespmem:s11+$0x30]  }
0xc3: {  	v5 =	vld [tilespmem:s12+$0x30]  }
0xc4: {  	s15 =	simm.s32 $0x8840;
	s20 =	simm.s32 $0x7;
	v6 =	vld [tilespmem:s12+$0xFFFFFFC0]  }
0xc5: {  	v15 =	vmov s20;
	v7 =	vld [tilespmem:s15+$0x30]  }
0xc6: {  	v15 =	vshrl.u32 v15, $0x3;
	v8 =	vld [tilespmem:s11+$0xFFFFFFD0]  }
0xc7: {  	v15 =	vshll.u32 v15, v1;
	v9 =	vld [tilespmem:s12+$0xFFFFFFD0]  }
0xc8: {  	v15 =	vadd.s32 $0x7, v15;
	v11 =	vld [tilespmem:s11+$0xFFFFFFE0]  }
0xc9: {  	v15 =	vbroadcast v15, $0x0;
	v14 =	vld [tilespmem:s11+$0xFFFFFFF0]  }
0xca: {  	v10 =	vmov s5;
	s14 =	simm.s32 $0x1;
	v19 =	vld [tilespmem:s11+$0x0]  }
0xcb: {  	v10 =	vshrl.u32 v10, $0x3;
	v12 =	vmov s14;
	s23 =	simm.s32 $0x3;
	v22 =	vld [tilespmem:s12+$0x0];
	v4 =	vadd.f32 v5, v4  }
0xcc: {  	v10 =	vshll.u32 v10, v1;
	s19 =	simm.s32 $0x2;
	v12 =	vshrl.u32 v12, $0x3;
	v16 =	vmov s23;
	v5 =	vld [tilespmem:s12+$0xFFFFFFE0]  }
0xcd: {  	v13 =	vmov s19;
	s25 =	simm.s32 $0x4;
	v16 =	vshrl.u32 v16, $0x3;
	v4 =	vadd.f32 v7, v4;
	v7 =	vld [tilespmem:s12+$0xFFFFFFF0]  }
0xce: {  	v13 =	vshrl.u32 v13, $0x3;
	v17 =	vmov s25;
	v16 =	vshll.u32 v16, v1;
	v23 =	vld [tilespmem:s11+$0x10]  }
0xcf: {  	s28 =	simm.s32 $0x5;
	v17 =	vshrl.u32 v17, $0x3;
	v16 =	vadd.s32 $0x3, v16;
	v15 =	vld.idx.msk [tilespmem:v15+s21+$0x0], $0xffff;
	v21 =	vmul.f32 $2.000000030e-01, v4  }
0xd0: {  	v18 =	vmov s28;
	v8 =	vadd.f32 v9, v8;
	v9 =	vld [tilespmem:s11+$0x20];
	vm2 =	vge.f32 v4, $0.0e+00  }
0xd1: {  	v17 =	vshll.u32 v17, v1;
	s30 =	simm.s32 $0x6;
	v5 =	vadd.f32 v5, v11;
	v11 =	vld [tilespmem:s12+$0x20];
	v4 =	vsel vm2, v4, v21  }
0xd2: {  	v20 =	vmov s30;
	v21 =	vld [tilespmem:s12+$0x10];
	v4 =	vmul.f32 $1.442695020e+00, v4;
	v7 =	vadd.f32 v7, v14  }
0xd3: {  	v14 =	vshrl.u32 v18, $0x3;
	v18 =	vadd.f32 v22, v19;
	v19 =	vshrl.u32 v20, $0x3;
	v22 =	vld [tilespmem:s15+$0xFFFFFFD0]  }
0xd4: {  	v17 =	vadd.s32 $0x4, v17;
	v19 =	vshll.u32 v19, v1;
	(erf) = vpow2.f32 v4;
	v4 =	vld [tilespmem:s11+$0xFFFFFFC0]  }
0xd5: {  	v24 =	vbroadcast v16, $0x0;
	v16 =	vadd.s32 $0x6, v19;
	v19 =	vbroadcast v17, $0x0;
	v17 =	vld [tilespmem:s15+$0x10]  }
0xd6: {  	v12 =	vshll.u32 v12, v1;
	v13 =	vshll.u32 v13, v1;
	s4 =	sadd.s32 $0x0, s31;
	v9 =	vadd.f32 v11, v9;
	v11 =	vld [tilespmem:s15+$0xFFFFFFF0]  }
0xd7: {  	v10 =	vbroadcast v10, $0x0;
	v12 =	vadd.s32 $0x1, v12;
	v13 =	vadd.s32 $0x2, v13;
	v20 =	vld [tilespmem:s15+$0xFFFFFFC0];
	s11 =	sadd.s32 $0xFFFD67F3, s4  }
0xd8: {  	v15 =	vsel vm0, $0x0, v15;
	v14 =	vshll.u32 v14, v1;
	p5 =	slt.s32 s11, $0x0;
	s11 =	simm.s32 $0x8;
	v21 =	vadd.f32 v21, v23;
	v23 =	vld [tilespmem:s15+$0xFFFFFFE0]  }
0xd9: {  	v28 =	vmov s11;
	v8 =	vadd.f32 v22, v8;
	v4 =	vadd.f32 v6, v4  }
0xda: {  	v6 =	vbroadcast v12, $0x0;
	v12 =	vadd.s32 $0x5, v14;
	v14 =	vbroadcast v13, $0x0;
	v13 =	vld [tilespmem:s15+$0x0]  }
0xdb: {  	v22 =	vbroadcast v16, $0x0;
	v17 =	vadd.f32 v17, v21;
	v7 =	vadd.f32 v11, v7  }
0xdc: {  	vm3 =	vge.f32 v8, $0.0e+00;
	v12 =	vbroadcast v12, $0x0;
	v4 =	vadd.f32 v20, v4  }
0xdd: {  	s7 =	sadd.s32 $0xFFFD67F7, s4;
	v20 =	vld [tilespmem:s15+$0x20];
	v5 =	vadd.f32 v23, v5;
	vm7 =	vge.f32 v17, $0.0e+00;
	vm5 =	vge.f32 v7, $0.0e+00;
	v16 =	vpop (erf)  }
0xde: {  	p0 =	slt.s32 s7, $0x0;
	v23 =	vmul.f32 $2.000000030e-01, v4;
	vm2 =	vge.f32 v4, $0.0e+00;
	v15 =	vsel vm1, v16, v15  }
0xdf: {  	v16 =	vpsel !p0, $0x0, v2;
	v13 =	vadd.f32 v13, v18;
	v18 =	vmul.f32 $2.000000030e-01, v7  }
0xe0: {  	vm4 =	vge.f32 v5, $0.0e+00;
	v11 =	vmul.f32 v15, v16;
	v15 =	vmul.f32 $2.000000030e-01, v8  }
0xe1: {  	v16 =	vmul.f32 $2.000000030e-01, v5;
	v4 =	vsel vm2, v4, v23;
	v21 =	vmul.f32 $2.000000030e-01, v13  }
0xe2: {  	s14 =	sadd.s32 $0xFFFD67F5, s4;
	v9 =	vadd.f32 v20, v9;
	v20 =	vmul.f32 $2.000000030e-01, v17;
	vm6 =	vge.f32 v13, $0.0e+00  }
0xe3: {  	s30 =	simm.s32 $0xE;
	p6 =	slt.s32 s14, $0x0;
	s14 =	simm.s32 $0xCC40;
	v7 =	vsel vm5, v7, v18;
	v4 =	vmul.f32 $1.442695020e+00, v4;
	v8 =	vsel vm3, v8, v15  }
0xe4: {  	v5 =	vsel vm4, v5, v16;
	[tilespmem:s14+$0x30] =	vst v11;
	v11 =	vmov s30;
	v23 =	vmul.f32 $2.000000030e-01, v9  }
0xe5: {  	s9 =	sadd.s32 $0xFFFD67F1, s4;
	s10 =	sadd.s32 $0xFFFD67F2, s4;
	vm2 =	vge.f32 v9, $0.0e+00;
	v15 =	vsel vm6, v13, v21;
	v18 =	vmul.f32 $1.442695020e+00, v8  }
0xe6: {  	p1 =	slt.s32 s9, $0x0;
	p4 =	slt.s32 s10, $0x0;
	v16 =	vsel vm7, v17, v20;
	v20 =	vmul.f32 $1.442695020e+00, v5;
	v13 =	vld.idx.msk [tilespmem:v10+s21+$0x0], $0xffff;
	v21 =	vmul.f32 $1.442695020e+00, v7  }
0xe7: {  	s12 =	sadd.s32 $0xFFFD67F4, s4;
	v10 =	vpsel !p1, $0x0, v2;
	v8 =	vpsel !p4, $0x0, v2;
	v25 =	vmul.f32 $1.442695020e+00, v15;
	v15 =	vld.idx.msk [tilespmem:v6+s21+$0x0], $0xffff  }
0xe8: {  	s8 =	sadd.s32 $0xFFFD67F0, s4;
	p2 =	slt.s32 s12, $0x0;
	(erf) = vpow2.f32 v4;
	v7 =	vpsel !p5, $0x0, v2;
	v26 =	vmul.f32 $1.442695020e+00, v16;
	v16 =	vld.idx.msk [tilespmem:v14+s21+$0x0], $0xffff  }
0xe9: {  	p3 =	slt.s32 s8, $0x0;
	v5 =	vpsel !p6, $0x0, v2;
	v6 =	vpsel !p2, $0x0, v2;
	v14 =	vld.idx.msk [tilespmem:v22+s21+$0x0], $0xffff;
	(erf) = vpow2.f32 v18  }
0xea: {  	s19 =	simm.s32 $0x9;
	s28 =	simm.s32 $0xD;
	s0 =	sadd.s32 $0xFFFD67F6, s4;
	v17 =	vsel vm2, v9, v23;
	v9 =	vpsel !p3, $0x0, v2;
	v18 =	vld.idx.msk [tilespmem:v19+s21+$0x0], $0xffff;
	(erf) = vpow2.f32 v20  }
0xeb: {  	s2 =	simm.s32 $0x48C0;
	p3 =	slt.s32 s0, $0x0;
	v19 =	vld.idx.msk [tilespmem:v12+s21+$0x0], $0xffff;
	v23 =	vmov s19;
	v12 =	vmov s28;
	(erf) = vpow2.f32 v21  }
0xec: {  	s25 =	simm.s32 $0xC;
	s20 =	simm.s32 $0xA;
	v22 =	vld [tilespmem:s2+$0x30];
	v27 =	vmul.f32 $1.442695020e+00, v17;
	v4 =	vpsel !p3, $0x0, v2;
	(erf) = vpow2.f32 v25  }
0xed: {  	s23 =	simm.s32 $0xB;
	s10 =	simm.s32 $0x8C0;
	v17 =	vld.idx.msk [tilespmem:v24+s21+$0x0], $0xffff;
	v24 =	vmov s20;
	v20 =	vmov s25;
	(erf) = vpow2.f32 v26  }
0xee: {  	s20 =	simm.s32 $0x10;
	v21 =	vld [tilespmem:s10+$0x30];
	v25 =	vmov s23;
	v26 =	vshrl.u32 v28, $0x3;
	(erf) = vpow2.f32 v27  }
.LBB2_6:
0xef: {  	v27 =	vld [tilespmem:s2+$0xFFFFFFC0];
	v26 =	vshll.u32 v26, v1  }
0xf0: {  	v23 =	vshrl.u32 v23, $0x3;
	v24 =	vshrl.u32 v24, $0x3;
	v20 =	vshrl.u32 v20, $0x3;
	v29 =	vld [tilespmem:s10+$0xFFFFFFD0]  }
0xf1: {  	s15 =	sadd.s32 $0x80, s15;
	v25 =	vshrl.u32 v25, $0x3;
	v31 =	vld [tilespmem:s2+$0xFFFFFFD0];
	s25 =	sadd.s32 $0x7, s11;
	v11 =	vshrl.u32 v11, $0x3;
	v20 =	vshll.u32 v20, v1  }
0xf2: {  	v28 =	vld [tilespmem:s15+$0x30];
	v58 =	vmov s25;
	v11 =	vshll.u32 v11, v1;
	v20 =	vadd.s32 $0x4, v20  }
0xf3: {  	v32 =	vld [tilespmem:s10+$0xFFFFFFE0];
	v11 =	vadd.s32 $0x6, v11;
	v20 =	vbroadcast v20, $0x0;
	v13 =	vsel vm0, $0x0, v13  }
0xf4: {  	v61 =	vld [tilespmem:s2+$0x0];
	v30 =	vpop (erf);
	v33 =	vsel vm0, $0x0, v15;
	v16 =	vsel vm0, $0x0, v16;
	v17 =	vsel vm0, $0x0, v17  }
0xf5: {  	v62 =	vld [tilespmem:s2+$0x10];
	v56 =	vpop (erf);
	v18 =	vsel vm0, $0x0, v18;
	v21 =	vadd.f32 v22, v21;
	v13 =	vsel vm1, v30, v13  }
0xf6: {  	v19 =	vsel vm0, $0x0, v19;
	v15 =	vpop (erf);
	v22 =	vld [tilespmem:s2+$0xFFFFFFE0];
	v9 =	vmul.f32 v13, v9;
	v13 =	vsel vm1, v56, v33  }
0xf7: {  	v57 =	vsel vm1, v15, v16;
	v15 =	vpop (erf);
	v16 =	vld [tilespmem:s10+$0xFFFFFFF0];
	v21 =	vadd.f32 v28, v21;
	v10 =	vmul.f32 v13, v10  }
0xf8: {  	v28 =	vshrl.u32 v58, $0x3;
	v8 =	vmul.f32 v57, v8;
	[tilespmem:s14+$0xFFFFFFC0] =	vst v9;
	v9 =	vsel vm1, v15, v17;
	v15 =	vpop (erf);
	v17 =	vld [tilespmem:s2+$0xFFFFFFF0]  }
0xf9: {  	v14 =	vsel vm0, $0x0, v14;
	v28 =	vshll.u32 v28, v1;
	[tilespmem:s14+$0xFFFFFFD0] =	vst v10;
	v10 =	vsel vm1, v15, v18;
	v13 =	vpop (erf);
	v18 =	vld [tilespmem:s10+$0x0]  }
0xfa: {  	v59 =	vmul.f32 $2.000000030e-01, v21;
	[tilespmem:s14+$0xFFFFFFE0] =	vst v8;
	v7 =	vmul.f32 v9, v7;
	v8 =	vsel vm1, v13, v19;
	v19 =	vld [tilespmem:s10+$0x10]  }
0xfb: {  	vm2 =	vge.f32 v21, $0.0e+00;
	v28 =	vadd.s32 $0x7, v28;
	v6 =	vmul.f32 v10, v6;
	v10 =	vld [tilespmem:s2+$0x20]  }
0xfc: {  	v60 =	vpop (erf);
	v13 =	vadd.f32 v22, v32;
	v21 =	vsel vm2, v21, v59;
	v22 =	vbroadcast v28, $0x0;
	[tilespmem:s14+$0xFFFFFFF0] =	vst v7;
	v7 =	vld [tilespmem:s10+$0xFFFFFFC0]  }
0xfd: {  	v21 =	vmul.f32 $1.442695020e+00, v21;
	v9 =	vsel vm1, v60, v14;
	v5 =	vmul.f32 v8, v5;
	[tilespmem:s14+$0x0] =	vst v6;
	v6 =	vld [tilespmem:s15+$0xFFFFFFC0]  }
0xfe: {  	v8 =	vshrl.u32 v12, $0x3;
	v4 =	vmul.f32 v9, v4;
	v14 =	vadd.f32 v17, v16;
	v16 =	vld [tilespmem:s10+$0x20]  }
0xff: {  	v9 =	vshll.u32 v23, v1;
	v8 =	vshll.u32 v8, v1;
	(erf) = vpow2.f32 v21;
	v23 =	vld [tilespmem:s15+$0x0]  }
0x100: {  	v11 =	vbroadcast v11, $0x0;
	v15 =	vadd.f32 v31, v29;
	v8 =	vadd.s32 $0x5, v8;
	[tilespmem:s14+$0x20] =	vst v4;
	v4 =	vld [tilespmem:s15+$0xFFFFFFD0]  }
0x101: {  	v17 =	vshll.u32 v24, v1;
	[tilespmem:s14+$0x10] =	vst v5;
	v5 =	vbroadcast v26, $0x0;
	v24 =	vbroadcast v8, $0x0;
	v8 =	vld [tilespmem:s15+$0x20]  }
0x102: {  	s19 =	sadd.s32 $0x3, s20;
	v9 =	vadd.s32 $0x1, v9;
	v12 =	vadd.f32 v61, v18;
	v18 =	vshll.u32 v25, v1;
	v21 =	vld.idx.msk [tilespmem:v22+s21+$0x0], $0xffff  }
0x103: {  	v17 =	vadd.s32 $0x2, v17;
	v25 =	vmov s19;
	v22 =	vld [tilespmem:s15+$0xFFFFFFE0];
	v7 =	vadd.f32 v27, v7  }
0x104: {  	v19 =	vadd.f32 v62, v19;
	v10 =	vadd.f32 v10, v16;
	v16 =	vbroadcast v9, $0x0;
	v9 =	vld [tilespmem:s15+$0xFFFFFFF0]  }
0x105: {  	v18 =	vadd.s32 $0x3, v18;
	v6 =	vadd.f32 v6, v7;
	v7 =	vld [tilespmem:s15+$0x10];
	v12 =	vadd.f32 v23, v12  }
0x106: {  	s28 =	sadd.s32 s11, s31;
	v17 =	vbroadcast v17, $0x0;
	v18 =	vbroadcast v18, $0x0;
	v4 =	vadd.f32 v4, v15  }
0x107: {  	s4 =	sadd.s32 $0xFFFD67F7, s28;
	vm2 =	vge.f32 v6, $0.0e+00;
	v8 =	vadd.f32 v8, v10;
	vm6 =	vge.f32 v12, $0.0e+00  }
0x108: {  	p6 =	slt.s32 s4, $0x0;
	v15 =	vsel vm0, $0x0, v21;
	v13 =	vadd.f32 v22, v13;
	v22 =	vmul.f32 $2.000000030e-01, v6;
	v21 =	vpop (erf)  }
0x109: {  	vm3 =	vge.f32 v4, $0.0e+00;
	v15 =	vsel vm1, v21, v15;
	v21 =	vpsel !p6, $0x0, v2  }
0x10a: {  	v9 =	vadd.f32 v9, v14;
	v7 =	vadd.f32 v7, v19;
	vm4 =	vge.f32 v13, $0.0e+00  }
0x10b: {  	v19 =	vmul.f32 $2.000000030e-01, v8;
	v6 =	vsel vm2, v6, v22;
	v14 =	vmul.f32 v15, v21  }
0x10c: {  	p0 =	slt.u32 s20, $0x3F8;
	vm2 =	vge.f32 v8, $0.0e+00;
	v15 =	vmul.f32 $2.000000030e-01, v4;
	v21 =	vmul.f32 $2.000000030e-01, v13  }
0x10d: {  	s0 =	simm.s32 @!p0 $0x0;
	s1 =	sadd.s32 $0xFFFD67F0, s28;
	s14 =	sadd.s32 $0x80, s14;
	v23 =	vmul.f32 $2.000000030e-01, v9;
	vm5 =	vge.f32 v9, $0.0e+00;
	v10 =	vmul.f32 $2.000000030e-01, v7  }
0x10e: {  	s9 =	sadd.s32 $0xFFFD67F5, s28;
	s0 =	simm.s32 @p0 $0x1;
	p0 =	slt.s32 s1, $0x0;
	vm7 =	vge.f32 v7, $0.0e+00;
	[tilespmem:s14+$0x30] =	vst v14;
	v14 =	vmul.f32 $2.000000030e-01, v12;
	v4 =	vsel vm3, v4, v15  }
0x10f: {  	p5 =	slt.s32 s9, $0x0;
	s9 =	sadd.s32 $0x1, s20;
	v13 =	vsel vm4, v13, v21;
	v15 =	vsel vm5, v9, v23;
	v9 =	vpsel !p0, $0x0, v2  }
0x110: {  	s3 =	sadd.s32 $0xFFFD67F1, s28;
	s30 =	sadd.s32 $0xFFFD67F4, s28;
	[smem:$0x7FD] =	sst s0;
	v21 =	vmul.f32 $1.442695020e+00, v13;
	v13 =	vld.idx.msk [tilespmem:v5+s21+$0x0], $0xffff;
	v5 =	vpsel !p5, $0x0, v2;
	v23 =	vmov s9  }
0x111: {  	s7 =	sadd.s32 $0xFFFD67F2, s28;
	p3 =	slt.s32 s30, $0x0;
	s30 =	sld [smem:$0x7FD];
	v12 =	vsel vm6, v12, v14;
	v14 =	vmul.f32 $1.442695020e+00, v6;
	v6 =	vsel vm7, v7, v10  }
0x112: {  	p4 =	slt.s32 s3, $0x0;
	p1 =	slt.s32 s7, $0x0;
	s0 =	sadd.s32 $0xFFFD67F6, s28;
	v7 =	vsel vm2, v8, v19;
	v19 =	vmul.f32 $1.442695020e+00, v4;
	v22 =	vmul.f32 $1.442695020e+00, v15;
	v15 =	vld.idx.msk [tilespmem:v16+s21+$0x0], $0xffff  }
0x113: {  	p6 =	slt.s32 s0, $0x0;
	v10 =	vpsel !p4, $0x0, v2;
	v8 =	vpsel !p1, $0x0, v2;
	v16 =	vld.idx.msk [tilespmem:v17+s21+$0x0], $0xffff;
	(erf) = vpow2.f32 v14  }
0x114: {  	s23 =	sadd.s32 $0x4, s20;
	p0 =	seq.s32 s30, $0x1;
	v17 =	vld.idx.msk [tilespmem:v18+s21+$0x0], $0xffff;
	v4 =	vpsel !p6, $0x0, v2;
	v12 =	vmul.f32 $1.442695020e+00, v12;
	(erf) = vpow2.f32 v19  }
.Ltmp6:
0x115: {  	s8 =	sadd.s32 $0xFFFD67F3, s28;
	v18 =	vld.idx.msk [tilespmem:v20+s21+$0x0], $0xffff;
	v20 =	vmov s23;
	v27 =	vmul.f32 $1.442695020e+00, v6;
	(erf) = vpow2.f32 v21;
	(pc) =	sbr.rel @p0 .LBB2_6-.Ltmp6, $4  }
0x116: {  	p2 =	slt.s32 s8, $0x0;
	v63 =	vmul.f32 $1.442695020e+00, v7;
	v14 =	vmov s20;
	v19 =	vld.idx.msk [tilespmem:v24+s21+$0x0], $0xffff;
	(erf) = vpow2.f32 v22  }
0x117: {  	s12 =	sadd.s32 $0x2, s20;
	s10 =	sadd.s32 $0x80, s10;
	v7 =	vpsel !p2, $0x0, v2;
	v26 =	vshrl.u32 v14, $0x3;
	v14 =	vld.idx.msk [tilespmem:v11+s21+$0x0], $0xffff;
	(erf) = vpow2.f32 v12  }
0x118: {  	s25 =	sadd.s32 $0x5, s20;
	s28 =	sadd.s32 $0x6, s20;
	s2 =	sadd.s32 $0x80, s2;
	v6 =	vpsel !p3, $0x0, v2;
	v24 =	vmov s12;
	v21 =	vld [tilespmem:s10+$0x30];
	(erf) = vpow2.f32 v27  }
0x119: {  	s11 =	smov.u32 s20;
	s20 =	sadd.s32 $0x8, s20;
	v11 =	vmov s28;
	v22 =	vld [tilespmem:s2+$0x30];
	v12 =	vmov s25;
	(erf) = vpow2.f32 v63  }
0x11a: {  	v26 =	vshll.u32 v26, v1  }
0x11b: {  	v23 =	vshrl.u32 v23, $0x3;
	v24 =	vshrl.u32 v24, $0x3;
	v25 =	vshrl.u32 v25, $0x3  }
0x11c: {  	v27 =	vld [tilespmem:s2+$0xFFFFFFC0];
	v13 =	vsel vm0, $0x0, v13;
	v15 =	vsel vm0, $0x0, v15;
	v16 =	vsel vm0, $0x0, v16  }
0x11d: {  	v29 =	vld [tilespmem:s10+$0xFFFFFFD0];
	v17 =	vsel vm0, $0x0, v17;
	v18 =	vsel vm0, $0x0, v18;
	v20 =	vshrl.u32 v20, $0x3  }
0x11e: {  	v31 =	vld [tilespmem:s2+$0xFFFFFFD0];
	s1 =	sadd.s32 $0x7, s11;
	v12 =	vshrl.u32 v12, $0x3;
	v11 =	vshrl.u32 v11, $0x3;
	v19 =	vsel vm0, $0x0, v19  }
0x11f: {  	v32 =	vld [tilespmem:s10+$0xFFFFFFE0];
	v59 =	vmov s1;
	v37 =	vshll.u32 v23, v1;
	v24 =	vshll.u32 v24, v1  }
0x120: {  	v58 =	vld [tilespmem:s2+$0xFFFFFFE0];
	v25 =	vshll.u32 v25, v1;
	v20 =	vshll.u32 v20, v1;
	v26 =	vbroadcast v26, $0x0  }
0x121: {  	v60 =	vld [tilespmem:s2+$0xFFFFFFF0];
	v12 =	vshll.u32 v12, v1;
	v11 =	vshll.u32 v11, v1;
	v14 =	vsel vm0, $0x0, v14  }
0x122: {  	v63 =	vld [tilespmem:s10+$0x10];
	v24 =	vadd.s32 $0x2, v24;
	v25 =	vadd.s32 $0x3, v25;
	v20 =	vadd.s32 $0x4, v20  }
0x123: {  	s0 =	sadd.s32 $0x80, s15;
	v35 =	vld [tilespmem:s2+$0x10];
	v30 =	vpop (erf);
	v12 =	vadd.s32 $0x5, v12;
	v11 =	vadd.s32 $0x6, v11;
	v24 =	vbroadcast v24, $0x0  }
0x124: {  	v28 =	vld [tilespmem:s0+$0x30];
	v13 =	vsel vm1, v30, v13;
	v25 =	vbroadcast v25, $0x0;
	v20 =	vbroadcast v20, $0x0  }
0x125: {  	v41 =	vld [tilespmem:s0+$0xFFFFFFE0];
	v57 =	vpop (erf);
	v30 =	vshrl.u32 v59, $0x3;
	v12 =	vbroadcast v12, $0x0;
	v11 =	vbroadcast v11, $0x0  }
0x126: {  	v44 =	vld [tilespmem:s0+$0x10];
	v21 =	vadd.f32 v22, v21;
	v9 =	vmul.f32 v13, v9;
	v13 =	vsel vm1, v57, v15;
	v15 =	vpop (erf)  }
0x127: {  	v61 =	vld [tilespmem:s10+$0x0];
	v30 =	vshll.u32 v30, v1;
	v10 =	vmul.f32 v13, v10;
	v13 =	vsel vm1, v15, v16  }
0x128: {  	v40 =	vld [tilespmem:s0+$0xFFFFFFD0];
	v15 =	vpop (erf);
	v30 =	vadd.s32 $0x7, v30;
	v22 =	vadd.f32 v58, v32;
	v39 =	vadd.f32 v35, v63  }
0x129: {  	v36 =	vld [tilespmem:s2+$0x20];
	v21 =	vadd.f32 v28, v21;
	v15 =	vsel vm1, v15, v17;
	v17 =	vpop (erf);
	v8 =	vmul.f32 v13, v8  }
0x12a: {  	v38 =	vld [tilespmem:s0+$0xFFFFFFC0];
	v30 =	vbroadcast v30, $0x0;
	v13 =	vsel vm1, v17, v18;
	v18 =	vadd.f32 v31, v29  }
0x12b: {  	v16 =	vld [tilespmem:s10+$0xFFFFFFF0];
	v17 =	vpop (erf);
	v7 =	vmul.f32 v15, v7;
	v22 =	vadd.f32 v41, v22;
	v23 =	vadd.f32 v44, v39  }
0x12c: {  	v62 =	vmul.f32 $2.000000030e-01, v21;
	v17 =	vsel vm1, v17, v19;
	v6 =	vmul.f32 v13, v6;
	v13 =	vld [tilespmem:s10+$0xFFFFFFC0]  }
0x12d: {  	v15 =	vld [tilespmem:s10+$0x20];
	vm2 =	vge.f32 v21, $0.0e+00;
	v18 =	vadd.f32 v40, v18;
	v48 =	vmul.f32 $2.000000030e-01, v22  }
0x12e: {  	v42 =	vld [tilespmem:s0+$0xFFFFFFF0];
	v54 =	vpop (erf);
	vm3 =	vge.f32 v22, $0.0e+00;
	v51 =	vmul.f32 $2.000000030e-01, v23;
	vm4 =	vge.f32 v23, $0.0e+00  }
0x12f: {  	v19 =	vld [tilespmem:s2+$0x0];
	s10 =	sadd.s32 s11, s31;
	v14 =	vsel vm1, v54, v14;
	v5 =	vmul.f32 v17, v5;
	v21 =	vsel vm2, v21, v62  }
0x130: {  	v45 =	vld [tilespmem:s0+$0x20];
	s11 =	sadd.s32 $0xFFFD67F0, s10;
	s7 =	sadd.s32 $0xFFFD67F3, s10;
	v16 =	vadd.f32 v60, v16;
	v4 =	vmul.f32 v14, v4;
	v21 =	vmul.f32 $1.442695020e+00, v21  }
0x131: {  	v43 =	vld [tilespmem:s0+$0x0];
	p6 =	slt.s32 s11, $0x0;
	p3 =	slt.s32 s7, $0x0;
	v47 =	vmul.f32 $2.000000030e-01, v18;
	v22 =	vsel vm3, v22, v48;
	v13 =	vadd.f32 v27, v13  }
0x132: {  	v14 =	vpsel !p6, $0x0, v2;
	v56 =	vpsel !p3, $0x0, v2;
	v15 =	vadd.f32 v36, v15  }
0x133: {  	v16 =	vadd.f32 v42, v16;
	v22 =	vmul.f32 $1.442695020e+00, v22;
	v13 =	vadd.f32 v38, v13  }
0x134: {  	(erf) = vpow2.f32 v21;
	v19 =	vadd.f32 v19, v61;
	v21 =	vadd.s32 $0x1, v37  }
0x135: {  	v21 =	vbroadcast v21, $0x0;
	v15 =	vadd.f32 v45, v15;
	v46 =	vmul.f32 $2.000000030e-01, v13  }
0x136: {  	v49 =	vmul.f32 $2.000000030e-01, v16;
	v19 =	vadd.f32 v43, v19;
	vm2 =	vge.f32 v13, $0.0e+00  }
0x137: {  	v52 =	vmul.f32 $2.000000030e-01, v15;
	v13 =	vsel vm2, v13, v46;
	vm2 =	vge.f32 v18, $0.0e+00  }
0x138: {  	v50 =	vmul.f32 $2.000000030e-01, v19;
	v18 =	vsel vm2, v18, v47;
	v13 =	vmul.f32 $1.442695020e+00, v13  }
0x139: {  	v55 =	vld.idx.msk [tilespmem:v25+s21+$0x0], $0xffff;
	vm3 =	vge.f32 v19, $0.0e+00;
	vm2 =	vge.f32 v16, $0.0e+00;
	v18 =	vmul.f32 $1.442695020e+00, v18  }
0x13a: {  	v12 =	vld.idx.msk [tilespmem:v12+s21+$0x0], $0xffff;
	v16 =	vsel vm2, v16, v49;
	vm2 =	vge.f32 v15, $0.0e+00;
	(erf) = vpow2.f32 v13  }
0x13b: {  	v53 =	vld.idx.msk [tilespmem:v30+s21+$0x0], $0xffff;
	v13 =	vsel vm3, v19, v50;
	v16 =	vmul.f32 $1.442695020e+00, v16;
	(erf) = vpow2.f32 v18  }
0x13c: {  	s15 =	sadd.s32 $0xFFFD67F4, s10;
	v11 =	vld.idx.msk [tilespmem:v11+s21+$0x0], $0xffff;
	v18 =	vsel vm4, v23, v51;
	v13 =	vmul.f32 $1.442695020e+00, v13;
	(erf) = vpow2.f32 v22  }
0x13d: {  	s8 =	sadd.s32 $0xFFFD67F5, s10;
	s0 =	sadd.s32 $0xFFFD67F6, s10;
	p4 =	slt.s32 s15, $0x0;
	v21 =	vld.idx.msk [tilespmem:v21+s21+$0x0], $0xffff;
	v15 =	vsel vm2, v15, v52;
	v18 =	vmul.f32 $1.442695020e+00, v18;
	(erf) = vpow2.f32 v16  }
0x13e: {  	p5 =	slt.s32 s8, $0x0;
	p6 =	slt.s32 s0, $0x0;
	v57 =	vpsel !p4, $0x0, v2;
	v19 =	vld.idx.msk [tilespmem:v26+s21+$0x0], $0xffff;
	v15 =	vmul.f32 $1.442695020e+00, v15;
	(erf) = vpow2.f32 v13  }
0x13f: {  	s3 =	sadd.s32 $0xFFFD67F7, s10;
	v58 =	vpsel !p5, $0x0, v2;
	v60 =	vpsel !p6, $0x0, v2;
	v16 =	vld.idx.msk [tilespmem:v24+s21+$0x0], $0xffff;
	(erf) = vpow2.f32 v18  }
0x140: {  	p0 =	slt.s32 s3, $0x0;
	v12 =	vsel vm0, $0x0, v12;
	v17 =	vpop (erf);
	v13 =	vsel vm0, $0x0, v53;
	v18 =	vld.idx.msk [tilespmem:v20+s21+$0x0], $0xffff;
	(erf) = vpow2.f32 v15  }
0x141: {  	[tilespmem:s14+$0xFFFFFFE0] =	vst v8;
	s12 =	sadd.s32 $0xFFFD67F1, s10;
	s4 =	sadd.s32 $0xFFFD67F2, s10;
	v8 =	vsel vm0, $0x0, v11;
	v13 =	vsel vm1, v17, v13;
	v17 =	vpsel !p0, $0x0, v2  }
0x142: {  	p1 =	slt.s32 s12, $0x0;
	p2 =	slt.s32 s4, $0x0;
	s15 =	sand.u32 $0x380, s5;
	v22 =	vsel vm0, $0x0, v55;
	v21 =	vsel vm0, $0x0, v21;
	v13 =	vmul.f32 v13, v17  }
0x143: {  	s20 =	sadd.s32 $0x80, s14;
	[tilespmem:s14+$0xFFFFFFC0] =	vst v9;
	s30 =	sor.u32 $0x20, s15;
	v19 =	vsel vm0, $0x0, v19;
	v15 =	vpsel !p1, $0x0, v2;
	v17 =	vpsel !p2, $0x0, v2;
	v59 =	vpop (erf)  }
0x144: {  	v16 =	vsel vm0, $0x0, v16;
	[tilespmem:s20+$0x30] =	vst v13;
	v13 =	vmov s30;
	v61 =	vpop (erf);
	v19 =	vsel vm1, v59, v19  }
0x145: {  	[tilespmem:s14+$0xFFFFFFD0] =	vst v10;
	v9 =	vsel vm0, $0x0, v18;
	v62 =	vpop (erf);
	v18 =	vsel vm1, v61, v21;
	v10 =	vmul.f32 v19, v14  }
0x146: {  	s23 =	sor.u32 $0x30, s15;
	v13 =	vshll.u32 v13, $0x4;
	v63 =	vpop (erf);
	v14 =	vmul.f32 v18, v15;
	v15 =	vsel vm1, v62, v16  }
0x147: {  	s25 =	sor.u32 $0x40, s15;
	v16 =	vpop (erf);
	v11 =	vsel vm1, v63, v22;
	v15 =	vmul.f32 v15, v17;
	[tilespmem:s20+$0xFFFFFFC0] =	vst v10;
	v10 =	vmov s23  }
0x148: {  	[tilespmem:s14+$0xFFFFFFF0] =	vst v7;
	v17 =	vpop (erf);
	v7 =	vsel vm1, v16, v9;
	v11 =	vmul.f32 v11, v56;
	v16 =	vmov s25  }
0x149: {  	s19 =	simm.s32 $0x0;
	s28 =	sor.u32 $0x60, s15;
	v10 =	vshll.u32 v10, $0x4;
	v9 =	vpop (erf);
	v12 =	vsel vm1, v17, v12;
	v7 =	vmul.f32 v7, v57  }
0x14a: {  	[tilespmem:s14+$0x0] =	vst v6;
	s12 =	sor.u32 $0x70, s15;
	v17 =	vmov s28;
	v6 =	vsel vm1, v9, v8;
	v9 =	vmov s19  }
0x14b: {  	[tilespmem:s14+$0x20] =	vst v4;
	v8 =	vmul.f32 v12, v58;
	v12 =	vmov s12;
	v4 =	vand.u32 $0xF, v9  }
0x14c: {  	[tilespmem:s20+$0xFFFFFFF0] =	vst v11;
	v11 =	vshll.u32 v16, $0x4;
	v12 =	vshll.u32 v12, $0x4;
	v4 =	vbroadcast v4, $0x0  }
0x14d: {  	[tilespmem:s14+$0x10] =	vst v5;
	s1 =	sor.u32 $0x10, s15;
	v16 =	vshll.u32 v17, $0x4;
	v5 =	vmul.f32 v6, v60;
	v12 =	vor.u32 v3, v12  }
0x14e: {  	p1 =	por $0x1, $0x1;
	[tilespmem:s20+$0xFFFFFFD0] =	vst v14;
	s19 =	sor.u32 $0x50, s15;
	v6 =	vmov s15;
	v9 =	vmov s1;
	v12 =	vor.u32 v4, v12  }
.Ltmp7:
0x14f: {  	[tilespmem:s20+$0xFFFFFFE0] =	vst v15;
	v14 =	vmov s19;
	v15 =	vor.u32 v3, v11;
	v16 =	vor.u32 v3, v16;
	(pc) =	sbr.rel @!p1 .LBB2_8-.Ltmp7, $4  }
0x150: {  	[tilespmem:s20+$0x0] =	vst v7;
	v9 =	vshll.u32 v9, $0x4;
	v14 =	vshll.u32 v14, $0x4;
	v6 =	vshll.u32 v6, $0x4  }
0x151: {  	[tilespmem:s20+$0x10] =	vst v8;
	v8 =	vor.u32 v3, v10;
	v7 =	vor.u32 v3, v9;
	v9 =	vor.u32 v3, v13  }
0x152: {  	v14 =	vor.u32 v3, v14;
	[tilespmem:s20+$0x20] =	vst v5;
	v6 =	vor.u32 v3, v6;
	v13 =	vor.u32 v4, v7  }
0x153: {  	s10 =	simm.s32 $0x0;
	s3 =	simm.s32 $0x0;
	p0 =	por $0x0, $0x0;
	v10 =	vor.u32 v4, v6;
	v7 =	vor.u32 v4, v9;
	v6 =	vor.u32 v4, v8;
	v5 =	vld.idx.msk [tilespmem:v12+s16+$0x0], $0xffff  }
0x154: {  	_ = 	snop  }
0x155: {  	s5 =	simm.s32 $0x80  }
0x156: {  	v9 =	vor.u32 v4, v15;
	v11 =	vor.u32 v4, v14;
	s0 =	simm.s32 $0x0;
	s11 =	sand.u32 $0x380, s5  }
0x157: {  	v12 =	vor.u32 v4, v16;
	s2 =	simm.s32 $0x0;
	v4 =	vmov s0;
	v14 =	vmov s11;
	s0 =	sor.u32 $0x10, s11;
	s17 =	sor.u32 $0x70, s11  }
0x158: {  	v13 =	vld.idx.msk [tilespmem:v13+s16+$0x0], $0xffff;
	s2 =	sand.u32 $0x3FFFFC00, s2;
	v4 =	vand.u32 $0xF, v4;
	s3 =	sor.u32 $0x20, s11;
	s24 =	sor.u32 $0x30, s11;
	v15 =	vmov s0;
	v8 =	vmov s17  }
0x159: {  	v10 =	vld.idx.msk [tilespmem:v10+s16+$0x0], $0xffff;
	s9 =	sor.u32 $0x40, s11;
	s14 =	sor.u32 $0x50, s11;
	s4 =	sadd.s32 $0x10C00, s2;
	v4 =	vbroadcast v4, $0x0;
	v16 =	vmov s3;
	v17 =	vmov s24  }
0x15a: {  	v19 =	vld.idx.msk [tilespmem:v7+s16+$0x0], $0xffff;
	s20 =	sor.u32 $0x60, s11;
	v18 =	vmov s9;
	v7 =	vmov s14;
	s2 =	sor.u32 s12, s4;
	v8 =	vshll.u32 v8, $0x4  }
0x15b: {  	v20 =	vmov s20;
	[tilespmem:s2+$0x0] =	vst v5;
	v5 =	vshll.u32 v18, $0x4;
	v8 =	vor.u32 v3, v8;
	v9 =	vld.idx.msk [tilespmem:v9+s16+$0x0], $0xffff  }
0x15c: {  	p1 =	por $0x1, $0x1;
	v7 =	vshll.u32 v7, $0x4;
	v18 =	vshll.u32 v14, $0x4;
	v11 =	vld.idx.msk [tilespmem:v11+s16+$0x0], $0xffff;
	v21 =	vor.u32 v4, v8  }
.Ltmp8:
0x15d: {  	s1 =	sor.u32 s1, s4;
	v14 =	vor.u32 v3, v7;
	v7 =	vor.u32 v3, v18;
	v8 =	vld.idx.msk [tilespmem:v6+s16+$0x0], $0xffff;
	v6 =	vshll.u32 v15, $0x4;
	(pc) =	sbr.rel @!p1 .LBB2_10-.Ltmp8, $4  }
0x15e: {  	s29 =	sor.u32 s15, s4;
	[tilespmem:s1+$0x0] =	vst v13;
	v12 =	vld.idx.msk [tilespmem:v12+s16+$0x0], $0xffff;
	v15 =	vshll.u32 v16, $0x4;
	v16 =	vshll.u32 v17, $0x4;
	v17 =	vshll.u32 v20, $0x4  }
0x15f: {  	s30 =	sor.u32 s30, s4;
	[tilespmem:s29+$0x0] =	vst v10;
	v10 =	vor.u32 v4, v7;
	v6 =	vor.u32 v3, v6;
	v63 =	vor.u32 v3, v15  }
0x160: {  	s10 =	simm.s32 $0x8;
	p0 =	por $0x1, $0x1;
	s8 =	sor.u32 s25, s4;
	[tilespmem:s30+$0x0] =	vst v19;
	v22 =	vor.u32 v3, v16;
	v15 =	vor.u32 v3, v5;
	v13 =	vor.u32 v4, v6  }
0x161: {  	s7 =	sor.u32 s19, s4;
	s2 =	sor.u32 s23, s4;
	s4 =	sor.u32 s28, s4;
	v16 =	vor.u32 v3, v17;
	v7 =	vor.u32 v4, v63;
	v6 =	vor.u32 v4, v22;
	v5 =	vld.idx.msk [tilespmem:v21+s16+$0x0], $0xffff  }
.LBB2_11:
0x162: {  	s1 =	sshll.u32 s10, $0x4;
	s10 =	sadd.s32 $0x8, s10;
	v15 =	vor.u32 v4, v15;
	v14 =	vor.u32 v4, v14;
	v16 =	vor.u32 v4, v16;
	s5 =	sadd.s32 $0x80, s5;
	[tilespmem:s2+$0x0] =	vst v8  }
0x163: {  	s2 =	sshrl.u32 s10, $0x6;
	s12 =	sand.u32 $0x380, s5;
	s1 =	sand.u32 $0x3FFFFC00, s1;
	[tilespmem:s8+$0x0] =	vst v9  }
0x164: {  	v17 =	vmov s12;
	v4 =	vmov s2;
	s15 =	sor.u32 $0x10, s12;
	s19 =	sor.u32 $0x70, s12;
	s1 =	sadd.s32 $0x10C00, s1;
	[tilespmem:s7+$0x0] =	vst v11  }
0x165: {  	s23 =	sor.u32 $0x20, s12;
	s25 =	sor.u32 $0x30, s12;
	v4 =	vand.u32 $0xF, v4;
	v9 =	vmov s15;
	v8 =	vmov s19;
	v13 =	vld.idx.msk [tilespmem:v13+s16+$0x0], $0xffff;
	s2 =	sor.u32 s17, s1;
	[tilespmem:s4+$0x0] =	vst v12  }
0x166: {  	s28 =	sor.u32 $0x40, s12;
	s30 =	sor.u32 $0x50, s12;
	s22 =	sor.u32 $0x60, s12;
	v11 =	vmov s23;
	v4 =	vbroadcast v4, $0x0;
	v8 =	vshll.u32 v8, $0x4;
	v10 =	vld.idx.msk [tilespmem:v10+s16+$0x0], $0xffff;
	[tilespmem:s2+$0x0] =	vst v5  }
0x167: {  	v12 =	vmov s28;
	s29 =	sor.u32 s11, s1;
	s26 =	sor.u32 s0, s1;
	s13 =	sor.u32 s3, s1;
	v5 =	vmov s25;
	v8 =	vor.u32 v3, v8;
	v18 =	vld.idx.msk [tilespmem:v7+s16+$0x0], $0xffff  }
0x168: {  	v19 =	vmov s22;
	s8 =	sor.u32 s9, s1;
	s7 =	sor.u32 s14, s1;
	s2 =	sor.u32 s24, s1;
	v7 =	vmov s30;
	v20 =	vor.u32 v4, v8;
	v8 =	vld.idx.msk [tilespmem:v6+s16+$0x0], $0xffff  }
0x169: {  	p1 =	slt.u32 s10, $0x2F8;
	s4 =	sor.u32 s20, s1;
	s11 =	smov.u32 s12;
	v21 =	vshll.u32 v11, $0x4;
	v5 =	vshll.u32 v5, $0x4;
	v6 =	vshll.u32 v9, $0x4;
	v9 =	vld.idx.msk [tilespmem:v15+s16+$0x0], $0xffff  }
.Ltmp9:
0x16a: {  	s0 =	smov.u32 s15;
	s17 =	smov.u32 s19;
	v19 =	vshll.u32 v19, $0x4;
	v7 =	vshll.u32 v7, $0x4;
	v15 =	vshll.u32 v12, $0x4;
	v11 =	vld.idx.msk [tilespmem:v14+s16+$0x0], $0xffff;
	(pc) =	sbr.rel @p1 .LBB2_11-.Ltmp9, $4  }
0x16b: {  	v17 =	vshll.u32 v17, $0x4;
	s3 =	smov.u32 s23;
	s9 =	smov.u32 s28;
	s24 =	smov.u32 s25;
	v21 =	vor.u32 v3, v21;
	v6 =	vor.u32 v3, v6;
	[tilespmem:s26+$0x0] =	vst v13;
	v12 =	vld.idx.msk [tilespmem:v16+s16+$0x0], $0xffff  }
0x16c: {  	s14 =	smov.u32 s30;
	s20 =	smov.u32 s22;
	v22 =	vor.u32 v3, v5;
	v15 =	vor.u32 v3, v15;
	v14 =	vor.u32 v3, v7;
	[tilespmem:s29+$0x0] =	vst v10  }
0x16d: {  	v7 =	vor.u32 v3, v17;
	v13 =	vor.u32 v4, v6;
	v16 =	vor.u32 v3, v19;
	v5 =	vld.idx.msk [tilespmem:v20+s16+$0x0], $0xffff  }
0x16e: {  	v6 =	vor.u32 v4, v22;
	v10 =	vor.u32 v4, v7;
	v7 =	vor.u32 v4, v21;
	[tilespmem:s13+$0x0] =	vst v18  }
0x16f: {  	s12 =	smov.u32 s17;
	s15 =	smov.u32 s11;
	s1 =	smov.u32 s0  }
0x170: {  	s30 =	smov.u32 s3;
	s23 =	smov.u32 s24;
	s25 =	smov.u32 s9  }
0x171: {  	s19 =	smov.u32 s14;
	s28 =	smov.u32 s20;
	s13 =	rddreg [dreg:$0xd]  }
0x172: {  	s17 =	simm.s32 $0x400;
	s22 =	simm.s32 $0x80;
	s24 =	simm.s32 $0x480  }
0x173: {  	s26 =	simm.s32 $0x500;
	s29 =	simm.s32 $0x580;
	s3 =	simm.s32 $0x0  }
.LBB2_13:
0x174: {  	_ =	sdelay $0x2  }
0x175: {  	v15 =	vor.u32 v4, v15  }
0x176: {  	s0 =	sshll.u32 s10, $0x4;
	v14 =	vor.u32 v4, v14;
	[tilespmem:s2+$0x0] =	vst @p0 v8;
	v61 =	vld.idx.msk [tilespmem:v13+s16+$0x0], $0xffff  }
0x177: {  	v4 =	vor.u32 v4, v16;
	[tilespmem:s8+$0x0] =	vst @p0 v9;
	v62 =	vld.idx.msk [tilespmem:v10+s16+$0x0], $0xffff;
	s0 =	sand.u32 $0x3FFFFC00, s0  }
0x178: {  	[tilespmem:s7+$0x0] =	vst @p0 v11;
	v7 =	vld.idx.msk [tilespmem:v7+s16+$0x0], $0xffff;
	s0 =	sadd.s32 $0x10C00, s0  }
0x179: {  	[tilespmem:s4+$0x0] =	vst @p0 v12;
	v6 =	vld.idx.msk [tilespmem:v6+s16+$0x0], $0xffff;
	s12 =	sor.u32 s12, s0  }
0x17a: {  	s1 =	sor.u32 s1, s0;
	[tilespmem:s12+$0x0] =	vst v5;
	v5 =	vld.idx.msk [tilespmem:v15+s16+$0x0], $0xffff  }
0x17b: {  	s14 =	sor.u32 s15, s0;
	v63 =	vld.idx.msk [tilespmem:v14+s16+$0x0], $0xffff;
	[tilespmem:s1+$0x0] =	vst v61  }
0x17c: {  	s15 =	sor.u32 s30, s0;
	v4 =	vld.idx.msk [tilespmem:v4+s16+$0x0], $0xffff;
	[tilespmem:s14+$0x0] =	vst v62  }
0x17d: {  	s20 =	sor.u32 s23, s0;
	[tilespmem:s15+$0x0] =	vst v7  }
0x17e: {  	s23 =	sor.u32 s25, s0;
	[tilespmem:s20+$0x0] =	vst v6  }
0x17f: {  	p0 =	sne.s32 s3, $0xB000;
	s25 =	sor.u32 s19, s0;
	[tilespmem:s23+$0x0] =	vst v5  }
.Ltmp10:
0x180: {  	s0 =	sor.u32 s28, s0;
	[tilespmem:s25+$0x0] =	vst v63;
	(pc) =	sbr.rel @!p0 .LBB2_15-.Ltmp10, $4  }
0x181: {  	s9 =	simm.s32 $0x780;
	s28 =	sshra.s32 s3, $0x2;
	[tilespmem:s0+$0x0] =	vst v4  }
0x182: {  	s30 =	sadd.s32 $0x10C00, s28;
	s0 =	sadd.s32 $0x1000, s3;
	s5 =	rddreg [dreg:$0x13]  }
0x183: {  	[hbm4b:s5+s6] =	stream.linear.scatter [tilespmem:s30], [sflag:$0x3], $0x400, $0x38;
	[tilespmem:$0x16400] =	vst v63  }
0x184: {  	s3 =	simm.s32 $0x600;
	s1 =	smov.u32 s5;
	_ =	swait.ge [sflag:s18], $0x400  }
.LBB2_14:
0x185: {  	s2 =	sshra.s32 s0, $0x2  }
0x186: {  	[sflag:s18] =	ssyncset.done $0x0;
	s1 =	sadd.s32 $0x6000, s1;
	p0 =	sne.s32 s0, $0xB000  }
.Ltmp11:
0x187: {  	s2 =	sadd.s32 $0x10C00, s2;
	[sflag:s18] =	ssyncadd.s32 $0xFFFFFC00;
	(pc) =	sbr.rel @p0 .LBB2_14-.Ltmp11, $3  }
0x188: {  	[hbm4b:s1+s6] =	stream.linear.scatter [tilespmem:s2], [sflag:$0x3], $0x400, $0x38;
	[tilespmem:$0x16400] =	vst v63  }
0x189: {  	s0 =	sadd.s32 $0x1000, s0;
	_ =	sdelay $0x1  }
0x18a: {  	_ =	swait.ge [sflag:s18], $0x400  }
.Ltmp12:
0x18b: {  	_ = 	snop;
	(pc) =	sbr.rel .LBB2_15-.Ltmp12, $1  }
0x18c: {  	_ =	sdelay $0x3  }
.LBB2_8:
.Ltmp13:
0x18d: {  	(pc) =	sbr.rel .LBB2_13-.Ltmp13, $2  }
0x18e: {  	_ =	sdelay $0x2  }
0x18f: {  	_ = 	snop  }
.LBB2_10:
0x190: {  	s12 =	smov.u32 s17  }
.Ltmp14:
0x191: {  	s15 =	smov.u32 s11;
	s1 =	smov.u32 s0;
	(pc) =	sbr.rel .LBB2_13-.Ltmp14, $4  }
0x192: {  	s30 =	smov.u32 s3;
	s23 =	smov.u32 s24;
	s25 =	smov.u32 s9  }
0x193: {  	s19 =	smov.u32 s14;
	s28 =	smov.u32 s20;
	s13 =	rddreg [dreg:$0xd]  }
0x194: {  	s17 =	simm.s32 $0x400;
	s22 =	simm.s32 $0x80;
	s24 =	simm.s32 $0x480  }
0x195: {  	s26 =	simm.s32 $0x500;
	s29 =	simm.s32 $0x580;
	s3 =	simm.s32 $0x0  }
.LBB2_18:
0x196: {  	_ =	sfence.sel $0x180000  }
0x197: {  	[bflag:$0x0] =	sbarrier.arrive $0xFFFF  }
0x198: {  	_ =	strace $0x90000047  }
0x199: {  	s0 =	stileid.u32;
	[bflag:$0x2] =	sbarrier.arrive $0xFFFF  }
0x19a: {  	p0 =	sne.s32 s0, $0x0;
	s0 =	rddreg [dreg:$0x7]  }
0x19b: {  	s0 =	sadd.s32 @!p0 $0x100000, s0  }
0x19c: {  	[sflag:s0] =	ssyncadd.tile.s32 @!p0 $0x1;
	_ =	shalt  }
.Lfunc_end2:
_tile_overlayer_lowered:
.L_overlay_start_2:
0x19d: {  	(tag) =	ssettag $0x2  }
0x19e: {  	s0 =	rddreg [dreg:$0x0];
	s2 =	stileid.u32  }
0x19f: {  	s1 =	rddreg [dreg:$0x1];
	p0 =	sne.s32 s2, $0x0  }
0x1a0: {  	s3 =	rddreg [dreg:$0x2];
	[bflag:$0x3] =	sbarrier.arrive $0xFFFF;
	s2 =	simm.s32 @!p0 $0x1C02  }
0x1a1: {  	[timem:s3], [sflag:s2] =	dma.local @!p0 [hbm:s0], s1  }
0x1a2: {  	s0 =	simm.s32 @!p0 $0x2  }
0x1a3: {  	_ =	swait.ge @!p0 [sflag:s0], s1  }
0x1a4: {  	s1 =	ssub.s32 @!p0 $0x0, s1;
	[sflag:s0] =	ssyncset.done @!p0 $0x0  }
0x1a5: {  	[sflag:s0] =	ssyncadd.s32 @!p0 s1  }
0x1a6: {  	[bflag:$0x3] =	sbarrier.arrive $0xFFFF  }
0x1a7: {  	_ =	shalt  }

</sc_bundles>
